<compile_context>
chip_gen: v7x
topology: tpu7x:2x2x1
jax: 0.10.2.dev20260603
libtpu: 0.0.44.dev20260713+nightly
codegen_flags: <defaults>
</compile_context>

<pallas_src>
import functools

import jax
import jax.numpy as jnp
from jax import lax
from jax.experimental import pallas as pl
from jax.experimental.pallas import tpu as pltpu
from jax.experimental.pallas import tpu_sc as plsc

_B, _N, _D = 4, 4096, 1024
_KEEP = 0.7
_K = int(_N * _KEEP)
_TOTAL = _B * _K
_BN = _B * _N
_EPS = 1e-5
_JC = 256

_NW = 32
_G = 32
_NCH = _TOTAL // _G
_SLOTS = -(-_NCH // _NW)
_FULL = _NCH * _G


def _rank_body(s_ref, src_ref):
    b = pl.program_id(0)
    s_row = s_ref[0]
    idx_row = lax.broadcasted_iota(jnp.int32, (1, _N), 1)
    acc = jnp.zeros((1, _N), jnp.float32)
    for j0 in range(0, _N, _JC):
        sj = s_row[0:1, j0:j0 + _JC].reshape(_JC, 1)
        jidx = j0 + lax.broadcasted_iota(jnp.int32, (_JC, 1), 0)
        gt = sj > s_row
        eqlt = (sj == s_row) & (jidx < idx_row)
        acc = acc + jnp.sum((gt | eqlt).astype(jnp.float32), axis=0,
                            keepdims=True)
    p_row = idx_row.astype(jnp.float32)
    src = jnp.zeros((1, _N), jnp.float32)
    for i0 in range(0, _N, _JC):
        ri = acc[0:1, i0:i0 + _JC].reshape(_JC, 1)
        iv = (i0 + lax.broadcasted_iota(jnp.int32, (_JC, 1), 0)
              ).astype(jnp.float32)
        src = src + jnp.sum(jnp.where(ri == p_row, iv, 0.0), axis=0,
                            keepdims=True)
    src_ref[0] = src.astype(jnp.int32) + b * _N


def _inv_perm(scores):
    out = pl.pallas_call(
        _rank_body,
        grid=(_B,),
        in_specs=[pl.BlockSpec((1, 1, _N), lambda i: (i, 0, 0))],
        out_specs=pl.BlockSpec((1, 1, _N), lambda i: (i, 0, 0)),
        out_shape=jax.ShapeDtypeStruct((_B, 1, _N), jnp.int32),
    )(scores.reshape(_B, 1, _N))
    return out.reshape(_B, _N)


def _sc_gather_body(idx_hbm, x_hbm, out_hbm, idx_v, rows_v, sem0, sem1):
    wid = lax.axis_index("s") * 2 + lax.axis_index("c")
    sems = (sem0, sem1)

    def buf(t):
        return rows_v.at[t % 2]

    def fire(t):
        c = t * _NW + wid

        @pl.when(c < _NCH)
        def _():
            pltpu.sync_copy(idx_hbm.at[pl.ds(c * _G, _G)],
                            idx_v.at[pl.ds(t * _G, _G)])
            pltpu.make_async_copy(x_hbm.at[idx_v.at[pl.ds(t * _G, _G)]],
                                  buf(t), sems[t % 2]).start()

    def finish(t):
        c = t * _NW + wid

        @pl.when(c < _NCH)
        def _():
            pltpu.make_async_copy(x_hbm.at[idx_v.at[pl.ds(t * _G, _G)]],
                                  buf(t), sems[t % 2]).wait()
            pltpu.sync_copy(buf(t), out_hbm.at[pl.ds(c * _G, _G)])

    fire(0)
    for t in range(_SLOTS):
        if t + 1 < _SLOTS:
            fire(t + 1)
        finish(t)


@jax.jit
def _sc_gather(idx, x_flat):
    mesh = plsc.VectorSubcoreMesh(core_axis_name="c", subcore_axis_name="s")
    f = functools.partial(
        pl.kernel,
        out_type=jax.ShapeDtypeStruct((_TOTAL, _D), jnp.float32),
        mesh=mesh,
        scratch_types=[
            pltpu.VMEM((_SLOTS * _G,), jnp.int32),
            pltpu.VMEM((2, _G, _D), jnp.float32),
            pltpu.SemaphoreType.DMA,
            pltpu.SemaphoreType.DMA,
        ],
    )(_sc_gather_body)
    return f(idx, x_flat)


def kernel(x, ln_w, ln_b, lin_w, lin_b):
    mean = jnp.mean(x, axis=-1, keepdims=True)
    var = jnp.var(x, axis=-1, keepdims=True)
    xn = (x - mean) / jnp.sqrt(var + _EPS)
    xn = xn * ln_w + ln_b
    scores = (xn @ lin_w.T + lin_b)[..., 0]

    src = _inv_perm(scores)
    idx = src[:, :_K].reshape(_TOTAL)
    x_flat = x.reshape(_BN, _D)
    out = _sc_gather(idx[:_FULL], x_flat)
    tail = x_flat[idx[_FULL:]]
    out = lax.dynamic_update_slice(out, tail, (_FULL, 0))
    return out.reshape(_B, _K, _D)

# --- scband reference (transcript-rebuilt; emitter-appended) ---
"""Pipeline reference for scband-token-dropper-74741020885694 (READ-ONLY COPY).

The authoritative reference and input builder live on the scoring server;
editing this copy changes nothing except your own understanding.
"""

import jax, jax.numpy as jnp
import numpy as np

B, N, D = 4, 4096, 1024
KEEP = 0.7
EPS = 1e-5

def setup_inputs(seed: int = 0) -> dict:
    key = jax.random.key(seed)
    k1, k2 = jax.random.split(key, 2)
    x = jax.random.normal(k1, (B, N, D), dtype=jnp.float32)
    ln_w = jnp.ones((D,), dtype=jnp.float32)
    ln_b = jnp.zeros((D,), dtype=jnp.float32)
    lin_w = jax.random.normal(k2, (1, D), dtype=jnp.float32) * (1.0 / np.sqrt(D))
    lin_b = jnp.zeros((1,), dtype=jnp.float32)
    return {"x": x, "ln_w": ln_w, "ln_b": ln_b, "lin_w": lin_w, "lin_b": lin_b}

def reference(x, ln_w, ln_b, lin_w, lin_b):
    # LayerNorm
    mean = jnp.mean(x, axis=-1, keepdims=True)
    var = jnp.var(x, axis=-1, keepdims=True)
    xn = (x - mean) / jnp.sqrt(var + EPS)
    xn = xn * ln_w + ln_b
    # Linear(D, 1) -> scores [B, N]
    scores = (xn @ lin_w.T + lin_b)[..., 0]
    k = int(N * KEEP)
    _, indices = jax.lax.top_k(scores, k)
    # gather kept tokens: [B, k, D]
    x_kept = jnp.take_along_axis(x, indices[:, :, None], axis=1)
    return x_kept

if __name__ == "__main__":
    import jax
    _d = setup_inputs()
    print(jax.jit(kernel)(*tuple(_d.values())))

</pallas_src>

<mosaic_0001>
#map = affine_map<(d0, d1) -> (0)>
#map1 = affine_map<(d0, d1) -> (0, 0)>
module attributes {stable_mosaic.version = 14 : i64} {
  func.func @_sc_gather_body(%arg0: i32, %arg1: i32, %arg2: memref<11456xi32, #tpu.memory_space<hbm>>, %arg3: memref<16384x1024xf32, #tpu.memory_space<hbm>>, %arg4: memref<11468x1024xf32, #tpu.memory_space<hbm>>, %arg5: memref<384xi32, #tpu.memory_space<vmem>>, %arg6: memref<2x32x1024xf32, #tpu.memory_space<vmem>>, %arg7: memref<!tpu.dma_semaphore, #tpu.memory_space<semaphore_mem>>, %arg8: memref<!tpu.dma_semaphore, #tpu.memory_space<semaphore_mem>>) attributes {dimension_semantics = [#tpu.dimension_semantics<core_parallel>, #tpu.dimension_semantics<subcore_parallel>], iteration_bounds = array<i64: 2, 16>, scalar_prefetch = 0 : i64, scratch_operands = 4 : i64, tpu.core_type = #tpu.core_type<sc_vector_subcore>, window_params = [{transform_indices = #map}, {transform_indices = #map1}, {transform_indices = #map1}]} {
    %mul3A = arith.constant 2 : i32
    %mul3A_0 = arith.muli %arg1, %mul3A : i32
    %add3A = arith.addi %mul3A_0, %arg0 : i32
    %add3A_1 = arith.constant 0 : i32
    %add3A_2 = arith.addi %add3A_1, %add3A : i32
    %lt3A = arith.constant 358 : i32
    %lt3A_3 = arith.cmpi slt, %add3A_2, %lt3A : i32
    %convert_element_type3A = arith.extui %lt3A_3 : i1 to i32
    %cond3A = arith.constant 0 : i32
    %cond3A_4 = arith.cmpi ne, %convert_element_type3A, %cond3A : i32
    scf.if %cond3A_4 {
      %mul3A_166 = arith.constant 32 : i32
      %mul3A_167 = arith.muli %add3A_2, %mul3A_166 : i32
      "tpu.region"() ({
        %run_scoped3A = tpu.sem_alloc : memref<!tpu.dma_semaphore, #tpu.memory_space<semaphore_mem>>
        %dma_start3A_177 = arith.constant 0 : i32
        %dma_start3A_178 = tpu.memref_slice %arg5[%dma_start3A_177] : memref<384xi32, #tpu.memory_space<vmem>> -> memref<32xi32, #tpu.memory_space<vmem>>
        %dma_start3A_179 = tpu.memref_slice %arg2[%mul3A_167] : memref<11456xi32, #tpu.memory_space<hbm>> -> memref<32xi32, #tpu.memory_space<hbm>>
        %dma_start3A_180 = arith.constant 0 : i32
        %dma_start3A_181 = tpu.memref_slice %arg5[%dma_start3A_180] : memref<384xi32, #tpu.memory_space<vmem>> -> memref<32xi32, #tpu.memory_space<vmem>>
        %dma_start3A_182 = tpu.memref_slice %arg2[%mul3A_167] : memref<11456xi32, #tpu.memory_space<hbm>> -> memref<32xi32, #tpu.memory_space<hbm>>
        tpu.enqueue_dma source(%dma_start3A_182 : memref<32xi32, #tpu.memory_space<hbm>>) target(%dma_start3A_181 : memref<32xi32, #tpu.memory_space<vmem>>) target_semaphore(%run_scoped3A : memref<!tpu.dma_semaphore, #tpu.memory_space<semaphore_mem>>)
        %dma_wait3A = arith.constant 0 : i32
        %dma_wait3A_183 = tpu.memref_slice %arg5[%dma_wait3A] : memref<384xi32, #tpu.memory_space<vmem>> -> memref<32xi32, #tpu.memory_space<vmem>>
        %dma_wait3A_184 = tpu.memref_slice %arg2[%mul3A_167] : memref<11456xi32, #tpu.memory_space<hbm>> -> memref<32xi32, #tpu.memory_space<hbm>>
        %dma_wait3A_185 = arith.constant 0 : i32
        %dma_wait3A_186 = tpu.memref_slice %arg5[%dma_wait3A_185] : memref<384xi32, #tpu.memory_space<vmem>> -> memref<32xi32, #tpu.memory_space<vmem>>
        %dma_wait3A_187 = tpu.memref_slice %arg2[%mul3A_167] : memref<11456xi32, #tpu.memory_space<hbm>> -> memref<32xi32, #tpu.memory_space<hbm>>
        tpu.wait_dma2 semaphore(%run_scoped3A : memref<!tpu.dma_semaphore, #tpu.memory_space<semaphore_mem>>) src(%dma_wait3A_187 : memref<32xi32, #tpu.memory_space<hbm>>) dst(%dma_wait3A_186 : memref<32xi32, #tpu.memory_space<vmem>>)
        tpu.yield
      }) : () -> ()
      %dma_start3A = arith.constant 0 : i32
      %dma_start3A_168 = arith.constant 0 : i32
      %dma_start3A_169 = arith.constant 0 : i32
      %dma_start3A_170 = tpu.memref_slice %arg6[%dma_start3A, %dma_start3A_168, %dma_start3A_169] : memref<2x32x1024xf32, #tpu.memory_space<vmem>> -> memref<1x32x1024xf32, #tpu.memory_space<vmem>>
      %dma_start3A_171 = tpu.memref_squeeze %dma_start3A_170 : memref<1x32x1024xf32, #tpu.memory_space<vmem>> -> memref<32x1024xf32, #tpu.memory_space<vmem>>
      %dma_start3A_172 = arith.constant 0 : i32
      %dma_start3A_173 = tpu.memref_slice %arg5[%dma_start3A_172] : memref<384xi32, #tpu.memory_space<vmem>> -> memref<32xi32, #tpu.memory_space<vmem>>
      %dma_start3A_174 = arith.constant 0 : i32
      %dma_start3A_175 = arith.constant 0 : i32
      %dma_start3A_176 = tpu.memref_slice %arg3[%dma_start3A_174, %dma_start3A_175] : memref<16384x1024xf32, #tpu.memory_space<hbm>> -> memref<16384x1024xf32, #tpu.memory_space<hbm>>
      tpu.enqueue_indirect_dma source(%dma_start3A_176 : memref<16384x1024xf32, #tpu.memory_space<hbm>>) target(%dma_start3A_171 : memref<32x1024xf32, #tpu.memory_space<vmem>>) offsets(%dma_start3A_173 : memref<32xi32, #tpu.memory_space<vmem>>) semaphore(%arg7 : memref<!tpu.dma_semaphore, #tpu.memory_space<semaphore_mem>>)
    } else {
    }
    %add3A_5 = arith.constant 32 : i32
    %add3A_6 = arith.addi %add3A_5, %add3A : i32
    %lt3A_7 = arith.constant 358 : i32
    %lt3A_8 = arith.cmpi slt, %add3A_6, %lt3A_7 : i32
    %convert_element_type3A_9 = arith.extui %lt3A_8 : i1 to i32
    %cond3A_10 = arith.constant 0 : i32
    %cond3A_11 = arith.cmpi ne, %convert_element_type3A_9, %cond3A_10 : i32
    scf.if %cond3A_11 {
      %mul3A_166 = arith.constant 32 : i32
      %mul3A_167 = arith.muli %add3A_6, %mul3A_166 : i32
      "tpu.region"() ({
        %run_scoped3A = tpu.sem_alloc : memref<!tpu.dma_semaphore, #tpu.memory_space<semaphore_mem>>
        %dma_start3A_177 = arith.constant 32 : i32
        %dma_start3A_178 = tpu.memref_slice %arg5[%dma_start3A_177] : memref<384xi32, #tpu.memory_space<vmem>> -> memref<32xi32, #tpu.memory_space<vmem>>
        %dma_start3A_179 = tpu.memref_slice %arg2[%mul3A_167] : memref<11456xi32, #tpu.memory_space<hbm>> -> memref<32xi32, #tpu.memory_space<hbm>>
        %dma_start3A_180 = arith.constant 32 : i32
        %dma_start3A_181 = tpu.memref_slice %arg5[%dma_start3A_180] : memref<384xi32, #tpu.memory_space<vmem>> -> memref<32xi32, #tpu.memory_space<vmem>>
        %dma_start3A_182 = tpu.memref_slice %arg2[%mul3A_167] : memref<11456xi32, #tpu.memory_space<hbm>> -> memref<32xi32, #tpu.memory_space<hbm>>
        tpu.enqueue_dma source(%dma_start3A_182 : memref<32xi32, #tpu.memory_space<hbm>>) target(%dma_start3A_181 : memref<32xi32, #tpu.memory_space<vmem>>) target_semaphore(%run_scoped3A : memref<!tpu.dma_semaphore, #tpu.memory_space<semaphore_mem>>)
        %dma_wait3A = arith.constant 32 : i32
        %dma_wait3A_183 = tpu.memref_slice %arg5[%dma_wait3A] : memref<384xi32, #tpu.memory_space<vmem>> -> memref<32xi32, #tpu.memory_space<vmem>>
        %dma_wait3A_184 = tpu.memref_slice %arg2[%mul3A_167] : memref<11456xi32, #tpu.memory_space<hbm>> -> memref<32xi32, #tpu.memory_space<hbm>>
        %dma_wait3A_185 = arith.constant 32 : i32
        %dma_wait3A_186 = tpu.memref_slice %arg5[%dma_wait3A_185] : memref<384xi32, #tpu.memory_space<vmem>> -> memref<32xi32, #tpu.memory_space<vmem>>
        %dma_wait3A_187 = tpu.memref_slice %arg2[%mul3A_167] : memref<11456xi32, #tpu.memory_space<hbm>> -> memref<32xi32, #tpu.memory_space<hbm>>
        tpu.wait_dma2 semaphore(%run_scoped3A : memref<!tpu.dma_semaphore, #tpu.memory_space<semaphore_mem>>) src(%dma_wait3A_187 : memref<32xi32, #tpu.memory_space<hbm>>) dst(%dma_wait3A_186 : memref<32xi32, #tpu.memory_space<vmem>>)
        tpu.yield
      }) : () -> ()
      %dma_start3A = arith.constant 1 : i32
      %dma_start3A_168 = arith.constant 0 : i32
      %dma_start3A_169 = arith.constant 0 : i32
      %dma_start3A_170 = tpu.memref_slice %arg6[%dma_start3A, %dma_start3A_168, %dma_start3A_169] : memref<2x32x1024xf32, #tpu.memory_space<vmem>> -> memref<1x32x1024xf32, #tpu.memory_space<vmem>>
      %dma_start3A_171 = tpu.memref_squeeze %dma_start3A_170 : memref<1x32x1024xf32, #tpu.memory_space<vmem>> -> memref<32x1024xf32, #tpu.memory_space<vmem>>
      %dma_start3A_172 = arith.constant 32 : i32
      %dma_start3A_173 = tpu.memref_slice %arg5[%dma_start3A_172] : memref<384xi32, #tpu.memory_space<vmem>> -> memref<32xi32, #tpu.memory_space<vmem>>
      %dma_start3A_174 = arith.constant 0 : i32
      %dma_start3A_175 = arith.constant 0 : i32
      %dma_start3A_176 = tpu.memref_slice %arg3[%dma_start3A_174, %dma_start3A_175] : memref<16384x1024xf32, #tpu.memory_space<hbm>> -> memref<16384x1024xf32, #tpu.memory_space<hbm>>
      tpu.enqueue_indirect_dma source(%dma_start3A_176 : memref<16384x1024xf32, #tpu.memory_space<hbm>>) target(%dma_start3A_171 : memref<32x1024xf32, #tpu.memory_space<vmem>>) offsets(%dma_start3A_173 : memref<32xi32, #tpu.memory_space<vmem>>) semaphore(%arg8 : memref<!tpu.dma_semaphore, #tpu.memory_space<semaphore_mem>>)
    } else {
    }
    %add3A_12 = arith.constant 0 : i32
    %add3A_13 = arith.addi %add3A_12, %add3A : i32
    %lt3A_14 = arith.constant 358 : i32
    %lt3A_15 = arith.cmpi slt, %add3A_13, %lt3A_14 : i32
    %convert_element_type3A_16 = arith.extui %lt3A_15 : i1 to i32
    %cond3A_17 = arith.constant 0 : i32
    %cond3A_18 = arith.cmpi ne, %convert_element_type3A_16, %cond3A_17 : i32
    scf.if %cond3A_18 {
      %dma_wait3A = arith.constant 0 : i32
      %dma_wait3A_166 = arith.constant 0 : i32
      %dma_wait3A_167 = arith.constant 0 : i32
      %dma_wait3A_168 = tpu.memref_slice %arg6[%dma_wait3A, %dma_wait3A_166, %dma_wait3A_167] : memref<2x32x1024xf32, #tpu.memory_space<vmem>> -> memref<1x32x1024xf32, #tpu.memory_space<vmem>>
      %dma_wait3A_169 = tpu.memref_squeeze %dma_wait3A_168 : memref<1x32x1024xf32, #tpu.memory_space<vmem>> -> memref<32x1024xf32, #tpu.memory_space<vmem>>
      %dma_wait3A_170 = arith.constant 0 : i32
      %dma_wait3A_171 = tpu.memref_slice %arg5[%dma_wait3A_170] : memref<384xi32, #tpu.memory_space<vmem>> -> memref<32xi32, #tpu.memory_space<vmem>>
      %dma_wait3A_172 = arith.constant 0 : i32
      %dma_wait3A_173 = arith.constant 0 : i32
      %dma_wait3A_174 = tpu.memref_slice %arg3[%dma_wait3A_172, %dma_wait3A_173] : memref<16384x1024xf32, #tpu.memory_space<hbm>> -> memref<16384x1024xf32, #tpu.memory_space<hbm>>
      tpu.wait_indirect_dma semaphore(%arg7 : memref<!tpu.dma_semaphore, #tpu.memory_space<semaphore_mem>>) src(%dma_wait3A_174 : memref<16384x1024xf32, #tpu.memory_space<hbm>>) dst(%dma_wait3A_169 : memref<32x1024xf32, #tpu.memory_space<vmem>>)
      %mul3A_175 = arith.constant 32 : i32
      %mul3A_176 = arith.muli %add3A_13, %mul3A_175 : i32
      %run_scoped3A = arith.constant 0 : i32
      "tpu.region"() ({
        %run_scoped3A_177 = tpu.sem_alloc : memref<!tpu.dma_semaphore, #tpu.memory_space<semaphore_mem>>
        %dma_start3A = arith.constant 0 : i32
        %dma_start3A_178 = arith.constant 0 : i32
        %dma_start3A_179 = tpu.memref_slice %arg6[%run_scoped3A, %dma_start3A, %dma_start3A_178] : memref<2x32x1024xf32, #tpu.memory_space<vmem>> -> memref<1x32x1024xf32, #tpu.memory_space<vmem>>
        %dma_start3A_180 = tpu.memref_squeeze %dma_start3A_179 : memref<1x32x1024xf32, #tpu.memory_space<vmem>> -> memref<32x1024xf32, #tpu.memory_space<vmem>>
        %dma_start3A_181 = arith.constant 0 : i32
        %dma_start3A_182 = tpu.memref_slice %arg4[%mul3A_176, %dma_start3A_181] : memref<11468x1024xf32, #tpu.memory_space<hbm>> -> memref<32x1024xf32, #tpu.memory_space<hbm>>
        %dma_start3A_183 = arith.constant 0 : i32
        %dma_start3A_184 = tpu.memref_slice %arg4[%mul3A_176, %dma_start3A_183] : memref<11468x1024xf32, #tpu.memory_space<hbm>> -> memref<32x1024xf32, #tpu.memory_space<hbm>>
        %dma_start3A_185 = arith.constant 0 : i32
        %dma_start3A_186 = arith.constant 0 : i32
        %dma_start3A_187 = tpu.memref_slice %arg6[%run_scoped3A, %dma_start3A_185, %dma_start3A_186] : memref<2x32x1024xf32, #tpu.memory_space<vmem>> -> memref<1x32x1024xf32, #tpu.memory_space<vmem>>
        %dma_start3A_188 = tpu.memref_squeeze %dma_start3A_187 : memref<1x32x1024xf32, #tpu.memory_space<vmem>> -> memref<32x1024xf32, #tpu.memory_space<vmem>>
        tpu.enqueue_dma source(%dma_start3A_188 : memref<32x1024xf32, #tpu.memory_space<vmem>>) target(%dma_start3A_184 : memref<32x1024xf32, #tpu.memory_space<hbm>>) target_semaphore(%run_scoped3A_177 : memref<!tpu.dma_semaphore, #tpu.memory_space<semaphore_mem>>)
        %dma_wait3A_189 = arith.constant 0 : i32
        %dma_wait3A_190 = arith.constant 0 : i32
        %dma_wait3A_191 = tpu.memref_slice %arg6[%run_scoped3A, %dma_wait3A_189, %dma_wait3A_190] : memref<2x32x1024xf32, #tpu.memory_space<vmem>> -> memref<1x32x1024xf32, #tpu.memory_space<vmem>>
        %dma_wait3A_192 = tpu.memref_squeeze %dma_wait3A_191 : memref<1x32x1024xf32, #tpu.memory_space<vmem>> -> memref<32x1024xf32, #tpu.memory_space<vmem>>
        %dma_wait3A_193 = arith.constant 0 : i32
        %dma_wait3A_194 = tpu.memref_slice %arg4[%mul3A_176, %dma_wait3A_193] : memref<11468x1024xf32, #tpu.memory_space<hbm>> -> memref<32x1024xf32, #tpu.memory_space<hbm>>
        %dma_wait3A_195 = arith.constant 0 : i32
        %dma_wait3A_196 = tpu.memref_slice %arg4[%mul3A_176, %dma_wait3A_195] : memref<11468x1024xf32, #tpu.memory_space<hbm>> -> memref<32x1024xf32, #tpu.memory_space<hbm>>
        %dma_wait3A_197 = arith.constant 0 : i32
        %dma_wait3A_198 = arith.constant 0 : i32
        %dma_wait3A_199 = tpu.memref_slice %arg6[%run_scoped3A, %dma_wait3A_197, %dma_wait3A_198] : memref<2x32x1024xf32, #tpu.memory_space<vmem>> -> memref<1x32x1024xf32, #tpu.memory_space<vmem>>
        %dma_wait3A_200 = tpu.memref_squeeze %dma_wait3A_199 : memref<1x32x1024xf32, #tpu.memory_space<vmem>> -> memref<32x1024xf32, #tpu.memory_space<vmem>>
        tpu.wait_dma2 semaphore(%run_scoped3A_177 : memref<!tpu.dma_semaphore, #tpu.memory_space<semaphore_mem>>) src(%dma_wait3A_200 : memref<32x1024xf32, #tpu.memory_space<vmem>>) dst(%dma_wait3A_196 : memref<32x1024xf32, #tpu.memory_space<hbm>>)
        tpu.yield
      }) : () -> ()
    } else {
    }
    %add3A_19 = arith.constant 64 : i32
    %add3A_20 = arith.addi %add3A_19, %add3A : i32
    %lt3A_21 = arith.constant 358 : i32
    %lt3A_22 = arith.cmpi slt, %add3A_20, %lt3A_21 : i32
    %convert_element_type3A_23 = arith.extui %lt3A_22 : i1 to i32
    %cond3A_24 = arith.constant 0 : i32
    %cond3A_25 = arith.cmpi ne, %convert_element_type3A_23, %cond3A_24 : i32
    scf.if %cond3A_25 {
      %mul3A_166 = arith.constant 32 : i32
      %mul3A_167 = arith.muli %add3A_20, %mul3A_166 : i32
      "tpu.region"() ({
        %run_scoped3A = tpu.sem_alloc : memref<!tpu.dma_semaphore, #tpu.memory_space<semaphore_mem>>
        %dma_start3A_177 = arith.constant 64 : i32
        %dma_start3A_178 = tpu.memref_slice %arg5[%dma_start3A_177] : memref<384xi32, #tpu.memory_space<vmem>> -> memref<32xi32, #tpu.memory_space<vmem>>
        %dma_start3A_179 = tpu.memref_slice %arg2[%mul3A_167] : memref<11456xi32, #tpu.memory_space<hbm>> -> memref<32xi32, #tpu.memory_space<hbm>>
        %dma_start3A_180 = arith.constant 64 : i32
        %dma_start3A_181 = tpu.memref_slice %arg5[%dma_start3A_180] : memref<384xi32, #tpu.memory_space<vmem>> -> memref<32xi32, #tpu.memory_space<vmem>>
        %dma_start3A_182 = tpu.memref_slice %arg2[%mul3A_167] : memref<11456xi32, #tpu.memory_space<hbm>> -> memref<32xi32, #tpu.memory_space<hbm>>
        tpu.enqueue_dma source(%dma_start3A_182 : memref<32xi32, #tpu.memory_space<hbm>>) target(%dma_start3A_181 : memref<32xi32, #tpu.memory_space<vmem>>) target_semaphore(%run_scoped3A : memref<!tpu.dma_semaphore, #tpu.memory_space<semaphore_mem>>)
        %dma_wait3A = arith.constant 64 : i32
        %dma_wait3A_183 = tpu.memref_slice %arg5[%dma_wait3A] : memref<384xi32, #tpu.memory_space<vmem>> -> memref<32xi32, #tpu.memory_space<vmem>>
        %dma_wait3A_184 = tpu.memref_slice %arg2[%mul3A_167] : memref<11456xi32, #tpu.memory_space<hbm>> -> memref<32xi32, #tpu.memory_space<hbm>>
        %dma_wait3A_185 = arith.constant 64 : i32
        %dma_wait3A_186 = tpu.memref_slice %arg5[%dma_wait3A_185] : memref<384xi32, #tpu.memory_space<vmem>> -> memref<32xi32, #tpu.memory_space<vmem>>
        %dma_wait3A_187 = tpu.memref_slice %arg2[%mul3A_167] : memref<11456xi32, #tpu.memory_space<hbm>> -> memref<32xi32, #tpu.memory_space<hbm>>
        tpu.wait_dma2 semaphore(%run_scoped3A : memref<!tpu.dma_semaphore, #tpu.memory_space<semaphore_mem>>) src(%dma_wait3A_187 : memref<32xi32, #tpu.memory_space<hbm>>) dst(%dma_wait3A_186 : memref<32xi32, #tpu.memory_space<vmem>>)
        tpu.yield
      }) : () -> ()
      %dma_start3A = arith.constant 0 : i32
      %dma_start3A_168 = arith.constant 0 : i32
      %dma_start3A_169 = arith.constant 0 : i32
      %dma_start3A_170 = tpu.memref_slice %arg6[%dma_start3A, %dma_start3A_168, %dma_start3A_169] : memref<2x32x1024xf32, #tpu.memory_space<vmem>> -> memref<1x32x1024xf32, #tpu.memory_space<vmem>>
      %dma_start3A_171 = tpu.memref_squeeze %dma_start3A_170 : memref<1x32x1024xf32, #tpu.memory_space<vmem>> -> memref<32x1024xf32, #tpu.memory_space<vmem>>
      %dma_start3A_172 = arith.constant 64 : i32
      %dma_start3A_173 = tpu.memref_slice %arg5[%dma_start3A_172] : memref<384xi32, #tpu.memory_space<vmem>> -> memref<32xi32, #tpu.memory_space<vmem>>
      %dma_start3A_174 = arith.constant 0 : i32
      %dma_start3A_175 = arith.constant 0 : i32
      %dma_start3A_176 = tpu.memref_slice %arg3[%dma_start3A_174, %dma_start3A_175] : memref<16384x1024xf32, #tpu.memory_space<hbm>> -> memref<16384x1024xf32, #tpu.memory_space<hbm>>
      tpu.enqueue_indirect_dma source(%dma_start3A_176 : memref<16384x1024xf32, #tpu.memory_space<hbm>>) target(%dma_start3A_171 : memref<32x1024xf32, #tpu.memory_space<vmem>>) offsets(%dma_start3A_173 : memref<32xi32, #tpu.memory_space<vmem>>) semaphore(%arg7 : memref<!tpu.dma_semaphore, #tpu.memory_space<semaphore_mem>>)
    } else {
    }
    %add3A_26 = arith.constant 32 : i32
    %add3A_27 = arith.addi %add3A_26, %add3A : i32
    %lt3A_28 = arith.constant 358 : i32
    %lt3A_29 = arith.cmpi slt, %add3A_27, %lt3A_28 : i32
    %convert_element_type3A_30 = arith.extui %lt3A_29 : i1 to i32
    %cond3A_31 = arith.constant 0 : i32
    %cond3A_32 = arith.cmpi ne, %convert_element_type3A_30, %cond3A_31 : i32
    scf.if %cond3A_32 {
      %dma_wait3A = arith.constant 1 : i32
      %dma_wait3A_166 = arith.constant 0 : i32
      %dma_wait3A_167 = arith.constant 0 : i32
      %dma_wait3A_168 = tpu.memref_slice %arg6[%dma_wait3A, %dma_wait3A_166, %dma_wait3A_167] : memref<2x32x1024xf32, #tpu.memory_space<vmem>> -> memref<1x32x1024xf32, #tpu.memory_space<vmem>>
      %dma_wait3A_169 = tpu.memref_squeeze %dma_wait3A_168 : memref<1x32x1024xf32, #tpu.memory_space<vmem>> -> memref<32x1024xf32, #tpu.memory_space<vmem>>
      %dma_wait3A_170 = arith.constant 32 : i32
      %dma_wait3A_171 = tpu.memref_slice %arg5[%dma_wait3A_170] : memref<384xi32, #tpu.memory_space<vmem>> -> memref<32xi32, #tpu.memory_space<vmem>>
      %dma_wait3A_172 = arith.constant 0 : i32
      %dma_wait3A_173 = arith.constant 0 : i32
      %dma_wait3A_174 = tpu.memref_slice %arg3[%dma_wait3A_172, %dma_wait3A_173] : memref<16384x1024xf32, #tpu.memory_space<hbm>> -> memref<16384x1024xf32, #tpu.memory_space<hbm>>
      tpu.wait_indirect_dma semaphore(%arg8 : memref<!tpu.dma_semaphore, #tpu.memory_space<semaphore_mem>>) src(%dma_wait3A_174 : memref<16384x1024xf32, #tpu.memory_space<hbm>>) dst(%dma_wait3A_169 : memref<32x1024xf32, #tpu.memory_space<vmem>>)
      %mul3A_175 = arith.constant 32 : i32
      %mul3A_176 = arith.muli %add3A_27, %mul3A_175 : i32
      %run_scoped3A = arith.constant 1 : i32
      "tpu.region"() ({
        %run_scoped3A_177 = tpu.sem_alloc : memref<!tpu.dma_semaphore, #tpu.memory_space<semaphore_mem>>
        %dma_start3A = arith.constant 0 : i32
        %dma_start3A_178 = arith.constant 0 : i32
        %dma_start3A_179 = tpu.memref_slice %arg6[%run_scoped3A, %dma_start3A, %dma_start3A_178] : memref<2x32x1024xf32, #tpu.memory_space<vmem>> -> memref<1x32x1024xf32, #tpu.memory_space<vmem>>
        %dma_start3A_180 = tpu.memref_squeeze %dma_start3A_179 : memref<1x32x1024xf32, #tpu.memory_space<vmem>> -> memref<32x1024xf32, #tpu.memory_space<vmem>>
        %dma_start3A_181 = arith.constant 0 : i32
        %dma_start3A_182 = tpu.memref_slice %arg4[%mul3A_176, %dma_start3A_181] : memref<11468x1024xf32, #tpu.memory_space<hbm>> -> memref<32x1024xf32, #tpu.memory_space<hbm>>
        %dma_start3A_183 = arith.constant 0 : i32
        %dma_start3A_184 = tpu.memref_slice %arg4[%mul3A_176, %dma_start3A_183] : memref<11468x1024xf32, #tpu.memory_space<hbm>> -> memref<32x1024xf32, #tpu.memory_space<hbm>>
        %dma_start3A_185 = arith.constant 0 : i32
        %dma_start3A_186 = arith.constant 0 : i32
        %dma_start3A_187 = tpu.memref_slice %arg6[%run_scoped3A, %dma_start3A_185, %dma_start3A_186] : memref<2x32x1024xf32, #tpu.memory_space<vmem>> -> memref<1x32x1024xf32, #tpu.memory_space<vmem>>
        %dma_start3A_188 = tpu.memref_squeeze %dma_start3A_187 : memref<1x32x1024xf32, #tpu.memory_space<vmem>> -> memref<32x1024xf32, #tpu.memory_space<vmem>>
        tpu.enqueue_dma source(%dma_start3A_188 : memref<32x1024xf32, #tpu.memory_space<vmem>>) target(%dma_start3A_184 : memref<32x1024xf32, #tpu.memory_space<hbm>>) target_semaphore(%run_scoped3A_177 : memref<!tpu.dma_semaphore, #tpu.memory_space<semaphore_mem>>)
        %dma_wait3A_189 = arith.constant 0 : i32
        %dma_wait3A_190 = arith.constant 0 : i32
        %dma_wait3A_191 = tpu.memref_slice %arg6[%run_scoped3A, %dma_wait3A_189, %dma_wait3A_190] : memref<2x32x1024xf32, #tpu.memory_space<vmem>> -> memref<1x32x1024xf32, #tpu.memory_space<vmem>>
        %dma_wait3A_192 = tpu.memref_squeeze %dma_wait3A_191 : memref<1x32x1024xf32, #tpu.memory_space<vmem>> -> memref<32x1024xf32, #tpu.memory_space<vmem>>
        %dma_wait3A_193 = arith.constant 0 : i32
        %dma_wait3A_194 = tpu.memref_slice %arg4[%mul3A_176, %dma_wait3A_193] : memref<11468x1024xf32, #tpu.memory_space<hbm>> -> memref<32x1024xf32, #tpu.memory_space<hbm>>
        %dma_wait3A_195 = arith.constant 0 : i32
        %dma_wait3A_196 = tpu.memref_slice %arg4[%mul3A_176, %dma_wait3A_195] : memref<11468x1024xf32, #tpu.memory_space<hbm>> -> memref<32x1024xf32, #tpu.memory_space<hbm>>
        %dma_wait3A_197 = arith.constant 0 : i32
        %dma_wait3A_198 = arith.constant 0 : i32
        %dma_wait3A_199 = tpu.memref_slice %arg6[%run_scoped3A, %dma_wait3A_197, %dma_wait3A_198] : memref<2x32x1024xf32, #tpu.memory_space<vmem>> -> memref<1x32x1024xf32, #tpu.memory_space<vmem>>
        %dma_wait3A_200 = tpu.memref_squeeze %dma_wait3A_199 : memref<1x32x1024xf32, #tpu.memory_space<vmem>> -> memref<32x1024xf32, #tpu.memory_space<vmem>>
        tpu.wait_dma2 semaphore(%run_scoped3A_177 : memref<!tpu.dma_semaphore, #tpu.memory_space<semaphore_mem>>) src(%dma_wait3A_200 : memref<32x1024xf32, #tpu.memory_space<vmem>>) dst(%dma_wait3A_196 : memref<32x1024xf32, #tpu.memory_space<hbm>>)
        tpu.yield
      }) : () -> ()
    } else {
    }
    %add3A_33 = arith.constant 96 : i32
    %add3A_34 = arith.addi %add3A_33, %add3A : i32
    %lt3A_35 = arith.constant 358 : i32
    %lt3A_36 = arith.cmpi slt, %add3A_34, %lt3A_35 : i32
    %convert_element_type3A_37 = arith.extui %lt3A_36 : i1 to i32
    %cond3A_38 = arith.constant 0 : i32
    %cond3A_39 = arith.cmpi ne, %convert_element_type3A_37, %cond3A_38 : i32
    scf.if %cond3A_39 {
      %mul3A_166 = arith.constant 32 : i32
      %mul3A_167 = arith.muli %add3A_34, %mul3A_166 : i32
      "tpu.region"() ({
        %run_scoped3A = tpu.sem_alloc : memref<!tpu.dma_semaphore, #tpu.memory_space<semaphore_mem>>
        %dma_start3A_177 = arith.constant 96 : i32
        %dma_start3A_178 = tpu.memref_slice %arg5[%dma_start3A_177] : memref<384xi32, #tpu.memory_space<vmem>> -> memref<32xi32, #tpu.memory_space<vmem>>
        %dma_start3A_179 = tpu.memref_slice %arg2[%mul3A_167] : memref<11456xi32, #tpu.memory_space<hbm>> -> memref<32xi32, #tpu.memory_space<hbm>>
        %dma_start3A_180 = arith.constant 96 : i32
        %dma_start3A_181 = tpu.memref_slice %arg5[%dma_start3A_180] : memref<384xi32, #tpu.memory_space<vmem>> -> memref<32xi32, #tpu.memory_space<vmem>>
        %dma_start3A_182 = tpu.memref_slice %arg2[%mul3A_167] : memref<11456xi32, #tpu.memory_space<hbm>> -> memref<32xi32, #tpu.memory_space<hbm>>
        tpu.enqueue_dma source(%dma_start3A_182 : memref<32xi32, #tpu.memory_space<hbm>>) target(%dma_start3A_181 : memref<32xi32, #tpu.memory_space<vmem>>) target_semaphore(%run_scoped3A : memref<!tpu.dma_semaphore, #tpu.memory_space<semaphore_mem>>)
        %dma_wait3A = arith.constant 96 : i32
        %dma_wait3A_183 = tpu.memref_slice %arg5[%dma_wait3A] : memref<384xi32, #tpu.memory_space<vmem>> -> memref<32xi32, #tpu.memory_space<vmem>>
        %dma_wait3A_184 = tpu.memref_slice %arg2[%mul3A_167] : memref<11456xi32, #tpu.memory_space<hbm>> -> memref<32xi32, #tpu.memory_space<hbm>>
        %dma_wait3A_185 = arith.constant 96 : i32
        %dma_wait3A_186 = tpu.memref_slice %arg5[%dma_wait3A_185] : memref<384xi32, #tpu.memory_space<vmem>> -> memref<32xi32, #tpu.memory_space<vmem>>
        %dma_wait3A_187 = tpu.memref_slice %arg2[%mul3A_167] : memref<11456xi32, #tpu.memory_space<hbm>> -> memref<32xi32, #tpu.memory_space<hbm>>
        tpu.wait_dma2 semaphore(%run_scoped3A : memref<!tpu.dma_semaphore, #tpu.memory_space<semaphore_mem>>) src(%dma_wait3A_187 : memref<32xi32, #tpu.memory_space<hbm>>) dst(%dma_wait3A_186 : memref<32xi32, #tpu.memory_space<vmem>>)
        tpu.yield
      }) : () -> ()
      %dma_start3A = arith.constant 1 : i32
      %dma_start3A_168 = arith.constant 0 : i32
      %dma_start3A_169 = arith.constant 0 : i32
      %dma_start3A_170 = tpu.memref_slice %arg6[%dma_start3A, %dma_start3A_168, %dma_start3A_169] : memref<2x32x1024xf32, #tpu.memory_space<vmem>> -> memref<1x32x1024xf32, #tpu.memory_space<vmem>>
      %dma_start3A_171 = tpu.memref_squeeze %dma_start3A_170 : memref<1x32x1024xf32, #tpu.memory_space<vmem>> -> memref<32x1024xf32, #tpu.memory_space<vmem>>
      %dma_start3A_172 = arith.constant 96 : i32
      %dma_start3A_173 = tpu.memref_slice %arg5[%dma_start3A_172] : memref<384xi32, #tpu.memory_space<vmem>> -> memref<32xi32, #tpu.memory_space<vmem>>
      %dma_start3A_174 = arith.constant 0 : i32
      %dma_start3A_175 = arith.constant 0 : i32
      %dma_start3A_176 = tpu.memref_slice %arg3[%dma_start3A_174, %dma_start3A_175] : memref<16384x1024xf32, #tpu.memory_space<hbm>> -> memref<16384x1024xf32, #tpu.memory_space<hbm>>
      tpu.enqueue_indirect_dma source(%dma_start3A_176 : memref<16384x1024xf32, #tpu.memory_space<hbm>>) target(%dma_start3A_171 : memref<32x1024xf32, #tpu.memory_space<vmem>>) offsets(%dma_start3A_173 : memref<32xi32, #tpu.memory_space<vmem>>) semaphore(%arg8 : memref<!tpu.dma_semaphore, #tpu.memory_space<semaphore_mem>>)
    } else {
    }
    %add3A_40 = arith.constant 64 : i32
    %add3A_41 = arith.addi %add3A_40, %add3A : i32
    %lt3A_42 = arith.constant 358 : i32
    %lt3A_43 = arith.cmpi slt, %add3A_41, %lt3A_42 : i32
    %convert_element_type3A_44 = arith.extui %lt3A_43 : i1 to i32
    %cond3A_45 = arith.constant 0 : i32
    %cond3A_46 = arith.cmpi ne, %convert_element_type3A_44, %cond3A_45 : i32
    scf.if %cond3A_46 {
      %dma_wait3A = arith.constant 0 : i32
      %dma_wait3A_166 = arith.constant 0 : i32
      %dma_wait3A_167 = arith.constant 0 : i32
      %dma_wait3A_168 = tpu.memref_slice %arg6[%dma_wait3A, %dma_wait3A_166, %dma_wait3A_167] : memref<2x32x1024xf32, #tpu.memory_space<vmem>> -> memref<1x32x1024xf32, #tpu.memory_space<vmem>>
      %dma_wait3A_169 = tpu.memref_squeeze %dma_wait3A_168 : memref<1x32x1024xf32, #tpu.memory_space<vmem>> -> memref<32x1024xf32, #tpu.memory_space<vmem>>
      %dma_wait3A_170 = arith.constant 64 : i32
      %dma_wait3A_171 = tpu.memref_slice %arg5[%dma_wait3A_170] : memref<384xi32, #tpu.memory_space<vmem>> -> memref<32xi32, #tpu.memory_space<vmem>>
      %dma_wait3A_172 = arith.constant 0 : i32
      %dma_wait3A_173 = arith.constant 0 : i32
      %dma_wait3A_174 = tpu.memref_slice %arg3[%dma_wait3A_172, %dma_wait3A_173] : memref<16384x1024xf32, #tpu.memory_space<hbm>> -> memref<16384x1024xf32, #tpu.memory_space<hbm>>
      tpu.wait_indirect_dma semaphore(%arg7 : memref<!tpu.dma_semaphore, #tpu.memory_space<semaphore_mem>>) src(%dma_wait3A_174 : memref<16384x1024xf32, #tpu.memory_space<hbm>>) dst(%dma_wait3A_169 : memref<32x1024xf32, #tpu.memory_space<vmem>>)
      %mul3A_175 = arith.constant 32 : i32
      %mul3A_176 = arith.muli %add3A_41, %mul3A_175 : i32
      %run_scoped3A = arith.constant 0 : i32
      "tpu.region"() ({
        %run_scoped3A_177 = tpu.sem_alloc : memref<!tpu.dma_semaphore, #tpu.memory_space<semaphore_mem>>
        %dma_start3A = arith.constant 0 : i32
        %dma_start3A_178 = arith.constant 0 : i32
        %dma_start3A_179 = tpu.memref_slice %arg6[%run_scoped3A, %dma_start3A, %dma_start3A_178] : memref<2x32x1024xf32, #tpu.memory_space<vmem>> -> memref<1x32x1024xf32, #tpu.memory_space<vmem>>
        %dma_start3A_180 = tpu.memref_squeeze %dma_start3A_179 : memref<1x32x1024xf32, #tpu.memory_space<vmem>> -> memref<32x1024xf32, #tpu.memory_space<vmem>>
        %dma_start3A_181 = arith.constant 0 : i32
        %dma_start3A_182 = tpu.memref_slice %arg4[%mul3A_176, %dma_start3A_181] : memref<11468x1024xf32, #tpu.memory_space<hbm>> -> memref<32x1024xf32, #tpu.memory_space<hbm>>
        %dma_start3A_183 = arith.constant 0 : i32
        %dma_start3A_184 = tpu.memref_slice %arg4[%mul3A_176, %dma_start3A_183] : memref<11468x1024xf32, #tpu.memory_space<hbm>> -> memref<32x1024xf32, #tpu.memory_space<hbm>>
        %dma_start3A_185 = arith.constant 0 : i32
        %dma_start3A_186 = arith.constant 0 : i32
        %dma_start3A_187 = tpu.memref_slice %arg6[%run_scoped3A, %dma_start3A_185, %dma_start3A_186] : memref<2x32x1024xf32, #tpu.memory_space<vmem>> -> memref<1x32x1024xf32, #tpu.memory_space<vmem>>
        %dma_start3A_188 = tpu.memref_squeeze %dma_start3A_187 : memref<1x32x1024xf32, #tpu.memory_space<vmem>> -> memref<32x1024xf32, #tpu.memory_space<vmem>>
        tpu.enqueue_dma source(%dma_start3A_188 : memref<32x1024xf32, #tpu.memory_space<vmem>>) target(%dma_start3A_184 : memref<32x1024xf32, #tpu.memory_space<hbm>>) target_semaphore(%run_scoped3A_177 : memref<!tpu.dma_semaphore, #tpu.memory_space<semaphore_mem>>)
        %dma_wait3A_189 = arith.constant 0 : i32
        %dma_wait3A_190 = arith.constant 0 : i32
        %dma_wait3A_191 = tpu.memref_slice %arg6[%run_scoped3A, %dma_wait3A_189, %dma_wait3A_190] : memref<2x32x1024xf32, #tpu.memory_space<vmem>> -> memref<1x32x1024xf32, #tpu.memory_space<vmem>>
        %dma_wait3A_192 = tpu.memref_squeeze %dma_wait3A_191 : memref<1x32x1024xf32, #tpu.memory_space<vmem>> -> memref<32x1024xf32, #tpu.memory_space<vmem>>
        %dma_wait3A_193 = arith.constant 0 : i32
        %dma_wait3A_194 = tpu.memref_slice %arg4[%mul3A_176, %dma_wait3A_193] : memref<11468x1024xf32, #tpu.memory_space<hbm>> -> memref<32x1024xf32, #tpu.memory_space<hbm>>
        %dma_wait3A_195 = arith.constant 0 : i32
        %dma_wait3A_196 = tpu.memref_slice %arg4[%mul3A_176, %dma_wait3A_195] : memref<11468x1024xf32, #tpu.memory_space<hbm>> -> memref<32x1024xf32, #tpu.memory_space<hbm>>
        %dma_wait3A_197 = arith.constant 0 : i32
        %dma_wait3A_198 = arith.constant 0 : i32
        %dma_wait3A_199 = tpu.memref_slice %arg6[%run_scoped3A, %dma_wait3A_197, %dma_wait3A_198] : memref<2x32x1024xf32, #tpu.memory_space<vmem>> -> memref<1x32x1024xf32, #tpu.memory_space<vmem>>
        %dma_wait3A_200 = tpu.memref_squeeze %dma_wait3A_199 : memref<1x32x1024xf32, #tpu.memory_space<vmem>> -> memref<32x1024xf32, #tpu.memory_space<vmem>>
        tpu.wait_dma2 semaphore(%run_scoped3A_177 : memref<!tpu.dma_semaphore, #tpu.memory_space<semaphore_mem>>) src(%dma_wait3A_200 : memref<32x1024xf32, #tpu.memory_space<vmem>>) dst(%dma_wait3A_196 : memref<32x1024xf32, #tpu.memory_space<hbm>>)
        tpu.yield
      }) : () -> ()
    } else {
    }
    %add3A_47 = arith.constant 128 : i32
    %add3A_48 = arith.addi %add3A_47, %add3A : i32
    %lt3A_49 = arith.constant 358 : i32
    %lt3A_50 = arith.cmpi slt, %add3A_48, %lt3A_49 : i32
    %convert_element_type3A_51 = arith.extui %lt3A_50 : i1 to i32
    %cond3A_52 = arith.constant 0 : i32
    %cond3A_53 = arith.cmpi ne, %convert_element_type3A_51, %cond3A_52 : i32
    scf.if %cond3A_53 {
      %mul3A_166 = arith.constant 32 : i32
      %mul3A_167 = arith.muli %add3A_48, %mul3A_166 : i32
      "tpu.region"() ({
        %run_scoped3A = tpu.sem_alloc : memref<!tpu.dma_semaphore, #tpu.memory_space<semaphore_mem>>
        %dma_start3A_177 = arith.constant 128 : i32
        %dma_start3A_178 = tpu.memref_slice %arg5[%dma_start3A_177] : memref<384xi32, #tpu.memory_space<vmem>> -> memref<32xi32, #tpu.memory_space<vmem>>
        %dma_start3A_179 = tpu.memref_slice %arg2[%mul3A_167] : memref<11456xi32, #tpu.memory_space<hbm>> -> memref<32xi32, #tpu.memory_space<hbm>>
        %dma_start3A_180 = arith.constant 128 : i32
        %dma_start3A_181 = tpu.memref_slice %arg5[%dma_start3A_180] : memref<384xi32, #tpu.memory_space<vmem>> -> memref<32xi32, #tpu.memory_space<vmem>>
        %dma_start3A_182 = tpu.memref_slice %arg2[%mul3A_167] : memref<11456xi32, #tpu.memory_space<hbm>> -> memref<32xi32, #tpu.memory_space<hbm>>
        tpu.enqueue_dma source(%dma_start3A_182 : memref<32xi32, #tpu.memory_space<hbm>>) target(%dma_start3A_181 : memref<32xi32, #tpu.memory_space<vmem>>) target_semaphore(%run_scoped3A : memref<!tpu.dma_semaphore, #tpu.memory_space<semaphore_mem>>)
        %dma_wait3A = arith.constant 128 : i32
        %dma_wait3A_183 = tpu.memref_slice %arg5[%dma_wait3A] : memref<384xi32, #tpu.memory_space<vmem>> -> memref<32xi32, #tpu.memory_space<vmem>>
        %dma_wait3A_184 = tpu.memref_slice %arg2[%mul3A_167] : memref<11456xi32, #tpu.memory_space<hbm>> -> memref<32xi32, #tpu.memory_space<hbm>>
        %dma_wait3A_185 = arith.constant 128 : i32
        %dma_wait3A_186 = tpu.memref_slice %arg5[%dma_wait3A_185] : memref<384xi32, #tpu.memory_space<vmem>> -> memref<32xi32, #tpu.memory_space<vmem>>
        %dma_wait3A_187 = tpu.memref_slice %arg2[%mul3A_167] : memref<11456xi32, #tpu.memory_space<hbm>> -> memref<32xi32, #tpu.memory_space<hbm>>
        tpu.wait_dma2 semaphore(%run_scoped3A : memref<!tpu.dma_semaphore, #tpu.memory_space<semaphore_mem>>) src(%dma_wait3A_187 : memref<32xi32, #tpu.memory_space<hbm>>) dst(%dma_wait3A_186 : memref<32xi32, #tpu.memory_space<vmem>>)
        tpu.yield
      }) : () -> ()
      %dma_start3A = arith.constant 0 : i32
      %dma_start3A_168 = arith.constant 0 : i32
      %dma_start3A_169 = arith.constant 0 : i32
      %dma_start3A_170 = tpu.memref_slice %arg6[%dma_start3A, %dma_start3A_168, %dma_start3A_169] : memref<2x32x1024xf32, #tpu.memory_space<vmem>> -> memref<1x32x1024xf32, #tpu.memory_space<vmem>>
      %dma_start3A_171 = tpu.memref_squeeze %dma_start3A_170 : memref<1x32x1024xf32, #tpu.memory_space<vmem>> -> memref<32x1024xf32, #tpu.memory_space<vmem>>
      %dma_start3A_172 = arith.constant 128 : i32
      %dma_start3A_173 = tpu.memref_slice %arg5[%dma_start3A_172] : memref<384xi32, #tpu.memory_space<vmem>> -> memref<32xi32, #tpu.memory_space<vmem>>
      %dma_start3A_174 = arith.constant 0 : i32
      %dma_start3A_175 = arith.constant 0 : i32
      %dma_start3A_176 = tpu.memref_slice %arg3[%dma_start3A_174, %dma_start3A_175] : memref<16384x1024xf32, #tpu.memory_space<hbm>> -> memref<16384x1024xf32, #tpu.memory_space<hbm>>
      tpu.enqueue_indirect_dma source(%dma_start3A_176 : memref<16384x1024xf32, #tpu.memory_space<hbm>>) target(%dma_start3A_171 : memref<32x1024xf32, #tpu.memory_space<vmem>>) offsets(%dma_start3A_173 : memref<32xi32, #tpu.memory_space<vmem>>) semaphore(%arg7 : memref<!tpu.dma_semaphore, #tpu.memory_space<semaphore_mem>>)
    } else {
    }
    %add3A_54 = arith.constant 96 : i32
    %add3A_55 = arith.addi %add3A_54, %add3A : i32
    %lt3A_56 = arith.constant 358 : i32
    %lt3A_57 = arith.cmpi slt, %add3A_55, %lt3A_56 : i32
    %convert_element_type3A_58 = arith.extui %lt3A_57 : i1 to i32
    %cond3A_59 = arith.constant 0 : i32
    %cond3A_60 = arith.cmpi ne, %convert_element_type3A_58, %cond3A_59 : i32
    scf.if %cond3A_60 {
      %dma_wait3A = arith.constant 1 : i32
      %dma_wait3A_166 = arith.constant 0 : i32
      %dma_wait3A_167 = arith.constant 0 : i32
      %dma_wait3A_168 = tpu.memref_slice %arg6[%dma_wait3A, %dma_wait3A_166, %dma_wait3A_167] : memref<2x32x1024xf32, #tpu.memory_space<vmem>> -> memref<1x32x1024xf32, #tpu.memory_space<vmem>>
      %dma_wait3A_169 = tpu.memref_squeeze %dma_wait3A_168 : memref<1x32x1024xf32, #tpu.memory_space<vmem>> -> memref<32x1024xf32, #tpu.memory_space<vmem>>
      %dma_wait3A_170 = arith.constant 96 : i32
      %dma_wait3A_171 = tpu.memref_slice %arg5[%dma_wait3A_170] : memref<384xi32, #tpu.memory_space<vmem>> -> memref<32xi32, #tpu.memory_space<vmem>>
      %dma_wait3A_172 = arith.constant 0 : i32
      %dma_wait3A_173 = arith.constant 0 : i32
      %dma_wait3A_174 = tpu.memref_slice %arg3[%dma_wait3A_172, %dma_wait3A_173] : memref<16384x1024xf32, #tpu.memory_space<hbm>> -> memref<16384x1024xf32, #tpu.memory_space<hbm>>
      tpu.wait_indirect_dma semaphore(%arg8 : memref<!tpu.dma_semaphore, #tpu.memory_space<semaphore_mem>>) src(%dma_wait3A_174 : memref<16384x1024xf32, #tpu.memory_space<hbm>>) dst(%dma_wait3A_169 : memref<32x1024xf32, #tpu.memory_space<vmem>>)
      %mul3A_175 = arith.constant 32 : i32
      %mul3A_176 = arith.muli %add3A_55, %mul3A_175 : i32
      %run_scoped3A = arith.constant 1 : i32
      "tpu.region"() ({
        %run_scoped3A_177 = tpu.sem_alloc : memref<!tpu.dma_semaphore, #tpu.memory_space<semaphore_mem>>
        %dma_start3A = arith.constant 0 : i32
        %dma_start3A_178 = arith.constant 0 : i32
        %dma_start3A_179 = tpu.memref_slice %arg6[%run_scoped3A, %dma_start3A, %dma_start3A_178] : memref<2x32x1024xf32, #tpu.memory_space<vmem>> -> memref<1x32x1024xf32, #tpu.memory_space<vmem>>
        %dma_start3A_180 = tpu.memref_squeeze %dma_start3A_179 : memref<1x32x1024xf32, #tpu.memory_space<vmem>> -> memref<32x1024xf32, #tpu.memory_space<vmem>>
        %dma_start3A_181 = arith.constant 0 : i32
        %dma_start3A_182 = tpu.memref_slice %arg4[%mul3A_176, %dma_start3A_181] : memref<11468x1024xf32, #tpu.memory_space<hbm>> -> memref<32x1024xf32, #tpu.memory_space<hbm>>
        %dma_start3A_183 = arith.constant 0 : i32
        %dma_start3A_184 = tpu.memref_slice %arg4[%mul3A_176, %dma_start3A_183] : memref<11468x1024xf32, #tpu.memory_space<hbm>> -> memref<32x1024xf32, #tpu.memory_space<hbm>>
        %dma_start3A_185 = arith.constant 0 : i32
        %dma_start3A_186 = arith.constant 0 : i32
        %dma_start3A_187 = tpu.memref_slice %arg6[%run_scoped3A, %dma_start3A_185, %dma_start3A_186] : memref<2x32x1024xf32, #tpu.memory_space<vmem>> -> memref<1x32x1024xf32, #tpu.memory_space<vmem>>
        %dma_start3A_188 = tpu.memref_squeeze %dma_start3A_187 : memref<1x32x1024xf32, #tpu.memory_space<vmem>> -> memref<32x1024xf32, #tpu.memory_space<vmem>>
        tpu.enqueue_dma source(%dma_start3A_188 : memref<32x1024xf32, #tpu.memory_space<vmem>>) target(%dma_start3A_184 : memref<32x1024xf32, #tpu.memory_space<hbm>>) target_semaphore(%run_scoped3A_177 : memref<!tpu.dma_semaphore, #tpu.memory_space<semaphore_mem>>)
        %dma_wait3A_189 = arith.constant 0 : i32
        %dma_wait3A_190 = arith.constant 0 : i32
        %dma_wait3A_191 = tpu.memref_slice %arg6[%run_scoped3A, %dma_wait3A_189, %dma_wait3A_190] : memref<2x32x1024xf32, #tpu.memory_space<vmem>> -> memref<1x32x1024xf32, #tpu.memory_space<vmem>>
        %dma_wait3A_192 = tpu.memref_squeeze %dma_wait3A_191 : memref<1x32x1024xf32, #tpu.memory_space<vmem>> -> memref<32x1024xf32, #tpu.memory_space<vmem>>
        %dma_wait3A_193 = arith.constant 0 : i32
        %dma_wait3A_194 = tpu.memref_slice %arg4[%mul3A_176, %dma_wait3A_193] : memref<11468x1024xf32, #tpu.memory_space<hbm>> -> memref<32x1024xf32, #tpu.memory_space<hbm>>
        %dma_wait3A_195 = arith.constant 0 : i32
        %dma_wait3A_196 = tpu.memref_slice %arg4[%mul3A_176, %dma_wait3A_195] : memref<11468x1024xf32, #tpu.memory_space<hbm>> -> memref<32x1024xf32, #tpu.memory_space<hbm>>
        %dma_wait3A_197 = arith.constant 0 : i32
        %dma_wait3A_198 = arith.constant 0 : i32
        %dma_wait3A_199 = tpu.memref_slice %arg6[%run_scoped3A, %dma_wait3A_197, %dma_wait3A_198] : memref<2x32x1024xf32, #tpu.memory_space<vmem>> -> memref<1x32x1024xf32, #tpu.memory_space<vmem>>
        %dma_wait3A_200 = tpu.memref_squeeze %dma_wait3A_199 : memref<1x32x1024xf32, #tpu.memory_space<vmem>> -> memref<32x1024xf32, #tpu.memory_space<vmem>>
        tpu.wait_dma2 semaphore(%run_scoped3A_177 : memref<!tpu.dma_semaphore, #tpu.memory_space<semaphore_mem>>) src(%dma_wait3A_200 : memref<32x1024xf32, #tpu.memory_space<vmem>>) dst(%dma_wait3A_196 : memref<32x1024xf32, #tpu.memory_space<hbm>>)
        tpu.yield
      }) : () -> ()
    } else {
    }
    %add3A_61 = arith.constant 160 : i32
    %add3A_62 = arith.addi %add3A_61, %add3A : i32
    %lt3A_63 = arith.constant 358 : i32
    %lt3A_64 = arith.cmpi slt, %add3A_62, %lt3A_63 : i32
    %convert_element_type3A_65 = arith.extui %lt3A_64 : i1 to i32
    %cond3A_66 = arith.constant 0 : i32
    %cond3A_67 = arith.cmpi ne, %convert_element_type3A_65, %cond3A_66 : i32
    scf.if %cond3A_67 {
      %mul3A_166 = arith.constant 32 : i32
      %mul3A_167 = arith.muli %add3A_62, %mul3A_166 : i32
      "tpu.region"() ({
        %run_scoped3A = tpu.sem_alloc : memref<!tpu.dma_semaphore, #tpu.memory_space<semaphore_mem>>
        %dma_start3A_177 = arith.constant 160 : i32
        %dma_start3A_178 = tpu.memref_slice %arg5[%dma_start3A_177] : memref<384xi32, #tpu.memory_space<vmem>> -> memref<32xi32, #tpu.memory_space<vmem>>
        %dma_start3A_179 = tpu.memref_slice %arg2[%mul3A_167] : memref<11456xi32, #tpu.memory_space<hbm>> -> memref<32xi32, #tpu.memory_space<hbm>>
        %dma_start3A_180 = arith.constant 160 : i32
        %dma_start3A_181 = tpu.memref_slice %arg5[%dma_start3A_180] : memref<384xi32, #tpu.memory_space<vmem>> -> memref<32xi32, #tpu.memory_space<vmem>>
        %dma_start3A_182 = tpu.memref_slice %arg2[%mul3A_167] : memref<11456xi32, #tpu.memory_space<hbm>> -> memref<32xi32, #tpu.memory_space<hbm>>
        tpu.enqueue_dma source(%dma_start3A_182 : memref<32xi32, #tpu.memory_space<hbm>>) target(%dma_start3A_181 : memref<32xi32, #tpu.memory_space<vmem>>) target_semaphore(%run_scoped3A : memref<!tpu.dma_semaphore, #tpu.memory_space<semaphore_mem>>)
        %dma_wait3A = arith.constant 160 : i32
        %dma_wait3A_183 = tpu.memref_slice %arg5[%dma_wait3A] : memref<384xi32, #tpu.memory_space<vmem>> -> memref<32xi32, #tpu.memory_space<vmem>>
        %dma_wait3A_184 = tpu.memref_slice %arg2[%mul3A_167] : memref<11456xi32, #tpu.memory_space<hbm>> -> memref<32xi32, #tpu.memory_space<hbm>>
        %dma_wait3A_185 = arith.constant 160 : i32
        %dma_wait3A_186 = tpu.memref_slice %arg5[%dma_wait3A_185] : memref<384xi32, #tpu.memory_space<vmem>> -> memref<32xi32, #tpu.memory_space<vmem>>
        %dma_wait3A_187 = tpu.memref_slice %arg2[%mul3A_167] : memref<11456xi32, #tpu.memory_space<hbm>> -> memref<32xi32, #tpu.memory_space<hbm>>
        tpu.wait_dma2 semaphore(%run_scoped3A : memref<!tpu.dma_semaphore, #tpu.memory_space<semaphore_mem>>) src(%dma_wait3A_187 : memref<32xi32, #tpu.memory_space<hbm>>) dst(%dma_wait3A_186 : memref<32xi32, #tpu.memory_space<vmem>>)
        tpu.yield
      }) : () -> ()
      %dma_start3A = arith.constant 1 : i32
      %dma_start3A_168 = arith.constant 0 : i32
      %dma_start3A_169 = arith.constant 0 : i32
      %dma_start3A_170 = tpu.memref_slice %arg6[%dma_start3A, %dma_start3A_168, %dma_start3A_169] : memref<2x32x1024xf32, #tpu.memory_space<vmem>> -> memref<1x32x1024xf32, #tpu.memory_space<vmem>>
      %dma_start3A_171 = tpu.memref_squeeze %dma_start3A_170 : memref<1x32x1024xf32, #tpu.memory_space<vmem>> -> memref<32x1024xf32, #tpu.memory_space<vmem>>
      %dma_start3A_172 = arith.constant 160 : i32
      %dma_start3A_173 = tpu.memref_slice %arg5[%dma_start3A_172] : memref<384xi32, #tpu.memory_space<vmem>> -> memref<32xi32, #tpu.memory_space<vmem>>
      %dma_start3A_174 = arith.constant 0 : i32
      %dma_start3A_175 = arith.constant 0 : i32
      %dma_start3A_176 = tpu.memref_slice %arg3[%dma_start3A_174, %dma_start3A_175] : memref<16384x1024xf32, #tpu.memory_space<hbm>> -> memref<16384x1024xf32, #tpu.memory_space<hbm>>
      tpu.enqueue_indirect_dma source(%dma_start3A_176 : memref<16384x1024xf32, #tpu.memory_space<hbm>>) target(%dma_start3A_171 : memref<32x1024xf32, #tpu.memory_space<vmem>>) offsets(%dma_start3A_173 : memref<32xi32, #tpu.memory_space<vmem>>) semaphore(%arg8 : memref<!tpu.dma_semaphore, #tpu.memory_space<semaphore_mem>>)
    } else {
    }
    %add3A_68 = arith.constant 128 : i32
    %add3A_69 = arith.addi %add3A_68, %add3A : i32
    %lt3A_70 = arith.constant 358 : i32
    %lt3A_71 = arith.cmpi slt, %add3A_69, %lt3A_70 : i32
    %convert_element_type3A_72 = arith.extui %lt3A_71 : i1 to i32
    %cond3A_73 = arith.constant 0 : i32
    %cond3A_74 = arith.cmpi ne, %convert_element_type3A_72, %cond3A_73 : i32
    scf.if %cond3A_74 {
      %dma_wait3A = arith.constant 0 : i32
      %dma_wait3A_166 = arith.constant 0 : i32
      %dma_wait3A_167 = arith.constant 0 : i32
      %dma_wait3A_168 = tpu.memref_slice %arg6[%dma_wait3A, %dma_wait3A_166, %dma_wait3A_167] : memref<2x32x1024xf32, #tpu.memory_space<vmem>> -> memref<1x32x1024xf32, #tpu.memory_space<vmem>>
      %dma_wait3A_169 = tpu.memref_squeeze %dma_wait3A_168 : memref<1x32x1024xf32, #tpu.memory_space<vmem>> -> memref<32x1024xf32, #tpu.memory_space<vmem>>
      %dma_wait3A_170 = arith.constant 128 : i32
      %dma_wait3A_171 = tpu.memref_slice %arg5[%dma_wait3A_170] : memref<384xi32, #tpu.memory_space<vmem>> -> memref<32xi32, #tpu.memory_space<vmem>>
      %dma_wait3A_172 = arith.constant 0 : i32
      %dma_wait3A_173 = arith.constant 0 : i32
      %dma_wait3A_174 = tpu.memref_slice %arg3[%dma_wait3A_172, %dma_wait3A_173] : memref<16384x1024xf32, #tpu.memory_space<hbm>> -> memref<16384x1024xf32, #tpu.memory_space<hbm>>
      tpu.wait_indirect_dma semaphore(%arg7 : memref<!tpu.dma_semaphore, #tpu.memory_space<semaphore_mem>>) src(%dma_wait3A_174 : memref<16384x1024xf32, #tpu.memory_space<hbm>>) dst(%dma_wait3A_169 : memref<32x1024xf32, #tpu.memory_space<vmem>>)
      %mul3A_175 = arith.constant 32 : i32
      %mul3A_176 = arith.muli %add3A_69, %mul3A_175 : i32
      %run_scoped3A = arith.constant 0 : i32
      "tpu.region"() ({
        %run_scoped3A_177 = tpu.sem_alloc : memref<!tpu.dma_semaphore, #tpu.memory_space<semaphore_mem>>
        %dma_start3A = arith.constant 0 : i32
        %dma_start3A_178 = arith.constant 0 : i32
        %dma_start3A_179 = tpu.memref_slice %arg6[%run_scoped3A, %dma_start3A, %dma_start3A_178] : memref<2x32x1024xf32, #tpu.memory_space<vmem>> -> memref<1x32x1024xf32, #tpu.memory_space<vmem>>
        %dma_start3A_180 = tpu.memref_squeeze %dma_start3A_179 : memref<1x32x1024xf32, #tpu.memory_space<vmem>> -> memref<32x1024xf32, #tpu.memory_space<vmem>>
        %dma_start3A_181 = arith.constant 0 : i32
        %dma_start3A_182 = tpu.memref_slice %arg4[%mul3A_176, %dma_start3A_181] : memref<11468x1024xf32, #tpu.memory_space<hbm>> -> memref<32x1024xf32, #tpu.memory_space<hbm>>
        %dma_start3A_183 = arith.constant 0 : i32
        %dma_start3A_184 = tpu.memref_slice %arg4[%mul3A_176, %dma_start3A_183] : memref<11468x1024xf32, #tpu.memory_space<hbm>> -> memref<32x1024xf32, #tpu.memory_space<hbm>>
        %dma_start3A_185 = arith.constant 0 : i32
        %dma_start3A_186 = arith.constant 0 : i32
        %dma_start3A_187 = tpu.memref_slice %arg6[%run_scoped3A, %dma_start3A_185, %dma_start3A_186] : memref<2x32x1024xf32, #tpu.memory_space<vmem>> -> memref<1x32x1024xf32, #tpu.memory_space<vmem>>
        %dma_start3A_188 = tpu.memref_squeeze %dma_start3A_187 : memref<1x32x1024xf32, #tpu.memory_space<vmem>> -> memref<32x1024xf32, #tpu.memory_space<vmem>>
        tpu.enqueue_dma source(%dma_start3A_188 : memref<32x1024xf32, #tpu.memory_space<vmem>>) target(%dma_start3A_184 : memref<32x1024xf32, #tpu.memory_space<hbm>>) target_semaphore(%run_scoped3A_177 : memref<!tpu.dma_semaphore, #tpu.memory_space<semaphore_mem>>)
        %dma_wait3A_189 = arith.constant 0 : i32
        %dma_wait3A_190 = arith.constant 0 : i32
        %dma_wait3A_191 = tpu.memref_slice %arg6[%run_scoped3A, %dma_wait3A_189, %dma_wait3A_190] : memref<2x32x1024xf32, #tpu.memory_space<vmem>> -> memref<1x32x1024xf32, #tpu.memory_space<vmem>>
        %dma_wait3A_192 = tpu.memref_squeeze %dma_wait3A_191 : memref<1x32x1024xf32, #tpu.memory_space<vmem>> -> memref<32x1024xf32, #tpu.memory_space<vmem>>
        %dma_wait3A_193 = arith.constant 0 : i32
        %dma_wait3A_194 = tpu.memref_slice %arg4[%mul3A_176, %dma_wait3A_193] : memref<11468x1024xf32, #tpu.memory_space<hbm>> -> memref<32x1024xf32, #tpu.memory_space<hbm>>
        %dma_wait3A_195 = arith.constant 0 : i32
        %dma_wait3A_196 = tpu.memref_slice %arg4[%mul3A_176, %dma_wait3A_195] : memref<11468x1024xf32, #tpu.memory_space<hbm>> -> memref<32x1024xf32, #tpu.memory_space<hbm>>
        %dma_wait3A_197 = arith.constant 0 : i32
        %dma_wait3A_198 = arith.constant 0 : i32
        %dma_wait3A_199 = tpu.memref_slice %arg6[%run_scoped3A, %dma_wait3A_197, %dma_wait3A_198] : memref<2x32x1024xf32, #tpu.memory_space<vmem>> -> memref<1x32x1024xf32, #tpu.memory_space<vmem>>
        %dma_wait3A_200 = tpu.memref_squeeze %dma_wait3A_199 : memref<1x32x1024xf32, #tpu.memory_space<vmem>> -> memref<32x1024xf32, #tpu.memory_space<vmem>>
        tpu.wait_dma2 semaphore(%run_scoped3A_177 : memref<!tpu.dma_semaphore, #tpu.memory_space<semaphore_mem>>) src(%dma_wait3A_200 : memref<32x1024xf32, #tpu.memory_space<vmem>>) dst(%dma_wait3A_196 : memref<32x1024xf32, #tpu.memory_space<hbm>>)
        tpu.yield
      }) : () -> ()
    } else {
    }
    %add3A_75 = arith.constant 192 : i32
    %add3A_76 = arith.addi %add3A_75, %add3A : i32
    %lt3A_77 = arith.constant 358 : i32
    %lt3A_78 = arith.cmpi slt, %add3A_76, %lt3A_77 : i32
    %convert_element_type3A_79 = arith.extui %lt3A_78 : i1 to i32
    %cond3A_80 = arith.constant 0 : i32
    %cond3A_81 = arith.cmpi ne, %convert_element_type3A_79, %cond3A_80 : i32
    scf.if %cond3A_81 {
      %mul3A_166 = arith.constant 32 : i32
      %mul3A_167 = arith.muli %add3A_76, %mul3A_166 : i32
      "tpu.region"() ({
        %run_scoped3A = tpu.sem_alloc : memref<!tpu.dma_semaphore, #tpu.memory_space<semaphore_mem>>
        %dma_start3A_177 = arith.constant 192 : i32
        %dma_start3A_178 = tpu.memref_slice %arg5[%dma_start3A_177] : memref<384xi32, #tpu.memory_space<vmem>> -> memref<32xi32, #tpu.memory_space<vmem>>
        %dma_start3A_179 = tpu.memref_slice %arg2[%mul3A_167] : memref<11456xi32, #tpu.memory_space<hbm>> -> memref<32xi32, #tpu.memory_space<hbm>>
        %dma_start3A_180 = arith.constant 192 : i32
        %dma_start3A_181 = tpu.memref_slice %arg5[%dma_start3A_180] : memref<384xi32, #tpu.memory_space<vmem>> -> memref<32xi32, #tpu.memory_space<vmem>>
        %dma_start3A_182 = tpu.memref_slice %arg2[%mul3A_167] : memref<11456xi32, #tpu.memory_space<hbm>> -> memref<32xi32, #tpu.memory_space<hbm>>
        tpu.enqueue_dma source(%dma_start3A_182 : memref<32xi32, #tpu.memory_space<hbm>>) target(%dma_start3A_181 : memref<32xi32, #tpu.memory_space<vmem>>) target_semaphore(%run_scoped3A : memref<!tpu.dma_semaphore, #tpu.memory_space<semaphore_mem>>)
        %dma_wait3A = arith.constant 192 : i32
        %dma_wait3A_183 = tpu.memref_slice %arg5[%dma_wait3A] : memref<384xi32, #tpu.memory_space<vmem>> -> memref<32xi32, #tpu.memory_space<vmem>>
        %dma_wait3A_184 = tpu.memref_slice %arg2[%mul3A_167] : memref<11456xi32, #tpu.memory_space<hbm>> -> memref<32xi32, #tpu.memory_space<hbm>>
        %dma_wait3A_185 = arith.constant 192 : i32
        %dma_wait3A_186 = tpu.memref_slice %arg5[%dma_wait3A_185] : memref<384xi32, #tpu.memory_space<vmem>> -> memref<32xi32, #tpu.memory_space<vmem>>
        %dma_wait3A_187 = tpu.memref_slice %arg2[%mul3A_167] : memref<11456xi32, #tpu.memory_space<hbm>> -> memref<32xi32, #tpu.memory_space<hbm>>
        tpu.wait_dma2 semaphore(%run_scoped3A : memref<!tpu.dma_semaphore, #tpu.memory_space<semaphore_mem>>) src(%dma_wait3A_187 : memref<32xi32, #tpu.memory_space<hbm>>) dst(%dma_wait3A_186 : memref<32xi32, #tpu.memory_space<vmem>>)
        tpu.yield
      }) : () -> ()
      %dma_start3A = arith.constant 0 : i32
      %dma_start3A_168 = arith.constant 0 : i32
      %dma_start3A_169 = arith.constant 0 : i32
      %dma_start3A_170 = tpu.memref_slice %arg6[%dma_start3A, %dma_start3A_168, %dma_start3A_169] : memref<2x32x1024xf32, #tpu.memory_space<vmem>> -> memref<1x32x1024xf32, #tpu.memory_space<vmem>>
      %dma_start3A_171 = tpu.memref_squeeze %dma_start3A_170 : memref<1x32x1024xf32, #tpu.memory_space<vmem>> -> memref<32x1024xf32, #tpu.memory_space<vmem>>
      %dma_start3A_172 = arith.constant 192 : i32
      %dma_start3A_173 = tpu.memref_slice %arg5[%dma_start3A_172] : memref<384xi32, #tpu.memory_space<vmem>> -> memref<32xi32, #tpu.memory_space<vmem>>
      %dma_start3A_174 = arith.constant 0 : i32
      %dma_start3A_175 = arith.constant 0 : i32
      %dma_start3A_176 = tpu.memref_slice %arg3[%dma_start3A_174, %dma_start3A_175] : memref<16384x1024xf32, #tpu.memory_space<hbm>> -> memref<16384x1024xf32, #tpu.memory_space<hbm>>
      tpu.enqueue_indirect_dma source(%dma_start3A_176 : memref<16384x1024xf32, #tpu.memory_space<hbm>>) target(%dma_start3A_171 : memref<32x1024xf32, #tpu.memory_space<vmem>>) offsets(%dma_start3A_173 : memref<32xi32, #tpu.memory_space<vmem>>) semaphore(%arg7 : memref<!tpu.dma_semaphore, #tpu.memory_space<semaphore_mem>>)
    } else {
    }
    %add3A_82 = arith.constant 160 : i32
    %add3A_83 = arith.addi %add3A_82, %add3A : i32
    %lt3A_84 = arith.constant 358 : i32
    %lt3A_85 = arith.cmpi slt, %add3A_83, %lt3A_84 : i32
    %convert_element_type3A_86 = arith.extui %lt3A_85 : i1 to i32
    %cond3A_87 = arith.constant 0 : i32
    %cond3A_88 = arith.cmpi ne, %convert_element_type3A_86, %cond3A_87 : i32
    scf.if %cond3A_88 {
      %dma_wait3A = arith.constant 1 : i32
      %dma_wait3A_166 = arith.constant 0 : i32
      %dma_wait3A_167 = arith.constant 0 : i32
      %dma_wait3A_168 = tpu.memref_slice %arg6[%dma_wait3A, %dma_wait3A_166, %dma_wait3A_167] : memref<2x32x1024xf32, #tpu.memory_space<vmem>> -> memref<1x32x1024xf32, #tpu.memory_space<vmem>>
      %dma_wait3A_169 = tpu.memref_squeeze %dma_wait3A_168 : memref<1x32x1024xf32, #tpu.memory_space<vmem>> -> memref<32x1024xf32, #tpu.memory_space<vmem>>
      %dma_wait3A_170 = arith.constant 160 : i32
      %dma_wait3A_171 = tpu.memref_slice %arg5[%dma_wait3A_170] : memref<384xi32, #tpu.memory_space<vmem>> -> memref<32xi32, #tpu.memory_space<vmem>>
      %dma_wait3A_172 = arith.constant 0 : i32
      %dma_wait3A_173 = arith.constant 0 : i32
      %dma_wait3A_174 = tpu.memref_slice %arg3[%dma_wait3A_172, %dma_wait3A_173] : memref<16384x1024xf32, #tpu.memory_space<hbm>> -> memref<16384x1024xf32, #tpu.memory_space<hbm>>
      tpu.wait_indirect_dma semaphore(%arg8 : memref<!tpu.dma_semaphore, #tpu.memory_space<semaphore_mem>>) src(%dma_wait3A_174 : memref<16384x1024xf32, #tpu.memory_space<hbm>>) dst(%dma_wait3A_169 : memref<32x1024xf32, #tpu.memory_space<vmem>>)
      %mul3A_175 = arith.constant 32 : i32
      %mul3A_176 = arith.muli %add3A_83, %mul3A_175 : i32
      %run_scoped3A = arith.constant 1 : i32
      "tpu.region"() ({
        %run_scoped3A_177 = tpu.sem_alloc : memref<!tpu.dma_semaphore, #tpu.memory_space<semaphore_mem>>
        %dma_start3A = arith.constant 0 : i32
        %dma_start3A_178 = arith.constant 0 : i32
        %dma_start3A_179 = tpu.memref_slice %arg6[%run_scoped3A, %dma_start3A, %dma_start3A_178] : memref<2x32x1024xf32, #tpu.memory_space<vmem>> -> memref<1x32x1024xf32, #tpu.memory_space<vmem>>
        %dma_start3A_180 = tpu.memref_squeeze %dma_start3A_179 : memref<1x32x1024xf32, #tpu.memory_space<vmem>> -> memref<32x1024xf32, #tpu.memory_space<vmem>>
        %dma_start3A_181 = arith.constant 0 : i32
        %dma_start3A_182 = tpu.memref_slice %arg4[%mul3A_176, %dma_start3A_181] : memref<11468x1024xf32, #tpu.memory_space<hbm>> -> memref<32x1024xf32, #tpu.memory_space<hbm>>
        %dma_start3A_183 = arith.constant 0 : i32
        %dma_start3A_184 = tpu.memref_slice %arg4[%mul3A_176, %dma_start3A_183] : memref<11468x1024xf32, #tpu.memory_space<hbm>> -> memref<32x1024xf32, #tpu.memory_space<hbm>>
        %dma_start3A_185 = arith.constant 0 : i32
        %dma_start3A_186 = arith.constant 0 : i32
        %dma_start3A_187 = tpu.memref_slice %arg6[%run_scoped3A, %dma_start3A_185, %dma_start3A_186] : memref<2x32x1024xf32, #tpu.memory_space<vmem>> -> memref<1x32x1024xf32, #tpu.memory_space<vmem>>
        %dma_start3A_188 = tpu.memref_squeeze %dma_start3A_187 : memref<1x32x1024xf32, #tpu.memory_space<vmem>> -> memref<32x1024xf32, #tpu.memory_space<vmem>>
        tpu.enqueue_dma source(%dma_start3A_188 : memref<32x1024xf32, #tpu.memory_space<vmem>>) target(%dma_start3A_184 : memref<32x1024xf32, #tpu.memory_space<hbm>>) target_semaphore(%run_scoped3A_177 : memref<!tpu.dma_semaphore, #tpu.memory_space<semaphore_mem>>)
        %dma_wait3A_189 = arith.constant 0 : i32
        %dma_wait3A_190 = arith.constant 0 : i32
        %dma_wait3A_191 = tpu.memref_slice %arg6[%run_scoped3A, %dma_wait3A_189, %dma_wait3A_190] : memref<2x32x1024xf32, #tpu.memory_space<vmem>> -> memref<1x32x1024xf32, #tpu.memory_space<vmem>>
        %dma_wait3A_192 = tpu.memref_squeeze %dma_wait3A_191 : memref<1x32x1024xf32, #tpu.memory_space<vmem>> -> memref<32x1024xf32, #tpu.memory_space<vmem>>
        %dma_wait3A_193 = arith.constant 0 : i32
        %dma_wait3A_194 = tpu.memref_slice %arg4[%mul3A_176, %dma_wait3A_193] : memref<11468x1024xf32, #tpu.memory_space<hbm>> -> memref<32x1024xf32, #tpu.memory_space<hbm>>
        %dma_wait3A_195 = arith.constant 0 : i32
        %dma_wait3A_196 = tpu.memref_slice %arg4[%mul3A_176, %dma_wait3A_195] : memref<11468x1024xf32, #tpu.memory_space<hbm>> -> memref<32x1024xf32, #tpu.memory_space<hbm>>
        %dma_wait3A_197 = arith.constant 0 : i32
        %dma_wait3A_198 = arith.constant 0 : i32
        %dma_wait3A_199 = tpu.memref_slice %arg6[%run_scoped3A, %dma_wait3A_197, %dma_wait3A_198] : memref<2x32x1024xf32, #tpu.memory_space<vmem>> -> memref<1x32x1024xf32, #tpu.memory_space<vmem>>
        %dma_wait3A_200 = tpu.memref_squeeze %dma_wait3A_199 : memref<1x32x1024xf32, #tpu.memory_space<vmem>> -> memref<32x1024xf32, #tpu.memory_space<vmem>>
        tpu.wait_dma2 semaphore(%run_scoped3A_177 : memref<!tpu.dma_semaphore, #tpu.memory_space<semaphore_mem>>) src(%dma_wait3A_200 : memref<32x1024xf32, #tpu.memory_space<vmem>>) dst(%dma_wait3A_196 : memref<32x1024xf32, #tpu.memory_space<hbm>>)
        tpu.yield
      }) : () -> ()
    } else {
    }
    %add3A_89 = arith.constant 224 : i32
    %add3A_90 = arith.addi %add3A_89, %add3A : i32
    %lt3A_91 = arith.constant 358 : i32
    %lt3A_92 = arith.cmpi slt, %add3A_90, %lt3A_91 : i32
    %convert_element_type3A_93 = arith.extui %lt3A_92 : i1 to i32
    %cond3A_94 = arith.constant 0 : i32
    %cond3A_95 = arith.cmpi ne, %convert_element_type3A_93, %cond3A_94 : i32
    scf.if %cond3A_95 {
      %mul3A_166 = arith.constant 32 : i32
      %mul3A_167 = arith.muli %add3A_90, %mul3A_166 : i32
      "tpu.region"() ({
        %run_scoped3A = tpu.sem_alloc : memref<!tpu.dma_semaphore, #tpu.memory_space<semaphore_mem>>
        %dma_start3A_177 = arith.constant 224 : i32
        %dma_start3A_178 = tpu.memref_slice %arg5[%dma_start3A_177] : memref<384xi32, #tpu.memory_space<vmem>> -> memref<32xi32, #tpu.memory_space<vmem>>
        %dma_start3A_179 = tpu.memref_slice %arg2[%mul3A_167] : memref<11456xi32, #tpu.memory_space<hbm>> -> memref<32xi32, #tpu.memory_space<hbm>>
        %dma_start3A_180 = arith.constant 224 : i32
        %dma_start3A_181 = tpu.memref_slice %arg5[%dma_start3A_180] : memref<384xi32, #tpu.memory_space<vmem>> -> memref<32xi32, #tpu.memory_space<vmem>>
        %dma_start3A_182 = tpu.memref_slice %arg2[%mul3A_167] : memref<11456xi32, #tpu.memory_space<hbm>> -> memref<32xi32, #tpu.memory_space<hbm>>
        tpu.enqueue_dma source(%dma_start3A_182 : memref<32xi32, #tpu.memory_space<hbm>>) target(%dma_start3A_181 : memref<32xi32, #tpu.memory_space<vmem>>) target_semaphore(%run_scoped3A : memref<!tpu.dma_semaphore, #tpu.memory_space<semaphore_mem>>)
        %dma_wait3A = arith.constant 224 : i32
        %dma_wait3A_183 = tpu.memref_slice %arg5[%dma_wait3A] : memref<384xi32, #tpu.memory_space<vmem>> -> memref<32xi32, #tpu.memory_space<vmem>>
        %dma_wait3A_184 = tpu.memref_slice %arg2[%mul3A_167] : memref<11456xi32, #tpu.memory_space<hbm>> -> memref<32xi32, #tpu.memory_space<hbm>>
        %dma_wait3A_185 = arith.constant 224 : i32
        %dma_wait3A_186 = tpu.memref_slice %arg5[%dma_wait3A_185] : memref<384xi32, #tpu.memory_space<vmem>> -> memref<32xi32, #tpu.memory_space<vmem>>
        %dma_wait3A_187 = tpu.memref_slice %arg2[%mul3A_167] : memref<11456xi32, #tpu.memory_space<hbm>> -> memref<32xi32, #tpu.memory_space<hbm>>
        tpu.wait_dma2 semaphore(%run_scoped3A : memref<!tpu.dma_semaphore, #tpu.memory_space<semaphore_mem>>) src(%dma_wait3A_187 : memref<32xi32, #tpu.memory_space<hbm>>) dst(%dma_wait3A_186 : memref<32xi32, #tpu.memory_space<vmem>>)
        tpu.yield
      }) : () -> ()
      %dma_start3A = arith.constant 1 : i32
      %dma_start3A_168 = arith.constant 0 : i32
      %dma_start3A_169 = arith.constant 0 : i32
      %dma_start3A_170 = tpu.memref_slice %arg6[%dma_start3A, %dma_start3A_168, %dma_start3A_169] : memref<2x32x1024xf32, #tpu.memory_space<vmem>> -> memref<1x32x1024xf32, #tpu.memory_space<vmem>>
      %dma_start3A_171 = tpu.memref_squeeze %dma_start3A_170 : memref<1x32x1024xf32, #tpu.memory_space<vmem>> -> memref<32x1024xf32, #tpu.memory_space<vmem>>
      %dma_start3A_172 = arith.constant 224 : i32
      %dma_start3A_173 = tpu.memref_slice %arg5[%dma_start3A_172] : memref<384xi32, #tpu.memory_space<vmem>> -> memref<32xi32, #tpu.memory_space<vmem>>
      %dma_start3A_174 = arith.constant 0 : i32
      %dma_start3A_175 = arith.constant 0 : i32
      %dma_start3A_176 = tpu.memref_slice %arg3[%dma_start3A_174, %dma_start3A_175] : memref<16384x1024xf32, #tpu.memory_space<hbm>> -> memref<16384x1024xf32, #tpu.memory_space<hbm>>
      tpu.enqueue_indirect_dma source(%dma_start3A_176 : memref<16384x1024xf32, #tpu.memory_space<hbm>>) target(%dma_start3A_171 : memref<32x1024xf32, #tpu.memory_space<vmem>>) offsets(%dma_start3A_173 : memref<32xi32, #tpu.memory_space<vmem>>) semaphore(%arg8 : memref<!tpu.dma_semaphore, #tpu.memory_space<semaphore_mem>>)
    } else {
    }
    %add3A_96 = arith.constant 192 : i32
    %add3A_97 = arith.addi %add3A_96, %add3A : i32
    %lt3A_98 = arith.constant 358 : i32
    %lt3A_99 = arith.cmpi slt, %add3A_97, %lt3A_98 : i32
    %convert_element_type3A_100 = arith.extui %lt3A_99 : i1 to i32
    %cond3A_101 = arith.constant 0 : i32
    %cond3A_102 = arith.cmpi ne, %convert_element_type3A_100, %cond3A_101 : i32
    scf.if %cond3A_102 {
      %dma_wait3A = arith.constant 0 : i32
      %dma_wait3A_166 = arith.constant 0 : i32
      %dma_wait3A_167 = arith.constant 0 : i32
      %dma_wait3A_168 = tpu.memref_slice %arg6[%dma_wait3A, %dma_wait3A_166, %dma_wait3A_167] : memref<2x32x1024xf32, #tpu.memory_space<vmem>> -> memref<1x32x1024xf32, #tpu.memory_space<vmem>>
      %dma_wait3A_169 = tpu.memref_squeeze %dma_wait3A_168 : memref<1x32x1024xf32, #tpu.memory_space<vmem>> -> memref<32x1024xf32, #tpu.memory_space<vmem>>
      %dma_wait3A_170 = arith.constant 192 : i32
      %dma_wait3A_171 = tpu.memref_slice %arg5[%dma_wait3A_170] : memref<384xi32, #tpu.memory_space<vmem>> -> memref<32xi32, #tpu.memory_space<vmem>>
      %dma_wait3A_172 = arith.constant 0 : i32
      %dma_wait3A_173 = arith.constant 0 : i32
      %dma_wait3A_174 = tpu.memref_slice %arg3[%dma_wait3A_172, %dma_wait3A_173] : memref<16384x1024xf32, #tpu.memory_space<hbm>> -> memref<16384x1024xf32, #tpu.memory_space<hbm>>
      tpu.wait_indirect_dma semaphore(%arg7 : memref<!tpu.dma_semaphore, #tpu.memory_space<semaphore_mem>>) src(%dma_wait3A_174 : memref<16384x1024xf32, #tpu.memory_space<hbm>>) dst(%dma_wait3A_169 : memref<32x1024xf32, #tpu.memory_space<vmem>>)
      %mul3A_175 = arith.constant 32 : i32
      %mul3A_176 = arith.muli %add3A_97, %mul3A_175 : i32
      %run_scoped3A = arith.constant 0 : i32
      "tpu.region"() ({
        %run_scoped3A_177 = tpu.sem_alloc : memref<!tpu.dma_semaphore, #tpu.memory_space<semaphore_mem>>
        %dma_start3A = arith.constant 0 : i32
        %dma_start3A_178 = arith.constant 0 : i32
        %dma_start3A_179 = tpu.memref_slice %arg6[%run_scoped3A, %dma_start3A, %dma_start3A_178] : memref<2x32x1024xf32, #tpu.memory_space<vmem>> -> memref<1x32x1024xf32, #tpu.memory_space<vmem>>
        %dma_start3A_180 = tpu.memref_squeeze %dma_start3A_179 : memref<1x32x1024xf32, #tpu.memory_space<vmem>> -> memref<32x1024xf32, #tpu.memory_space<vmem>>
        %dma_start3A_181 = arith.constant 0 : i32
        %dma_start3A_182 = tpu.memref_slice %arg4[%mul3A_176, %dma_start3A_181] : memref<11468x1024xf32, #tpu.memory_space<hbm>> -> memref<32x1024xf32, #tpu.memory_space<hbm>>
        %dma_start3A_183 = arith.constant 0 : i32
        %dma_start3A_184 = tpu.memref_slice %arg4[%mul3A_176, %dma_start3A_183] : memref<11468x1024xf32, #tpu.memory_space<hbm>> -> memref<32x1024xf32, #tpu.memory_space<hbm>>
        %dma_start3A_185 = arith.constant 0 : i32
        %dma_start3A_186 = arith.constant 0 : i32
        %dma_start3A_187 = tpu.memref_slice %arg6[%run_scoped3A, %dma_start3A_185, %dma_start3A_186] : memref<2x32x1024xf32, #tpu.memory_space<vmem>> -> memref<1x32x1024xf32, #tpu.memory_space<vmem>>
        %dma_start3A_188 = tpu.memref_squeeze %dma_start3A_187 : memref<1x32x1024xf32, #tpu.memory_space<vmem>> -> memref<32x1024xf32, #tpu.memory_space<vmem>>
        tpu.enqueue_dma source(%dma_start3A_188 : memref<32x1024xf32, #tpu.memory_space<vmem>>) target(%dma_start3A_184 : memref<32x1024xf32, #tpu.memory_space<hbm>>) target_semaphore(%run_scoped3A_177 : memref<!tpu.dma_semaphore, #tpu.memory_space<semaphore_mem>>)
        %dma_wait3A_189 = arith.constant 0 : i32
        %dma_wait3A_190 = arith.constant 0 : i32
        %dma_wait3A_191 = tpu.memref_slice %arg6[%run_scoped3A, %dma_wait3A_189, %dma_wait3A_190] : memref<2x32x1024xf32, #tpu.memory_space<vmem>> -> memref<1x32x1024xf32, #tpu.memory_space<vmem>>
        %dma_wait3A_192 = tpu.memref_squeeze %dma_wait3A_191 : memref<1x32x1024xf32, #tpu.memory_space<vmem>> -> memref<32x1024xf32, #tpu.memory_space<vmem>>
        %dma_wait3A_193 = arith.constant 0 : i32
        %dma_wait3A_194 = tpu.memref_slice %arg4[%mul3A_176, %dma_wait3A_193] : memref<11468x1024xf32, #tpu.memory_space<hbm>> -> memref<32x1024xf32, #tpu.memory_space<hbm>>
        %dma_wait3A_195 = arith.constant 0 : i32
        %dma_wait3A_196 = tpu.memref_slice %arg4[%mul3A_176, %dma_wait3A_195] : memref<11468x1024xf32, #tpu.memory_space<hbm>> -> memref<32x1024xf32, #tpu.memory_space<hbm>>
        %dma_wait3A_197 = arith.constant 0 : i32
        %dma_wait3A_198 = arith.constant 0 : i32
        %dma_wait3A_199 = tpu.memref_slice %arg6[%run_scoped3A, %dma_wait3A_197, %dma_wait3A_198] : memref<2x32x1024xf32, #tpu.memory_space<vmem>> -> memref<1x32x1024xf32, #tpu.memory_space<vmem>>
        %dma_wait3A_200 = tpu.memref_squeeze %dma_wait3A_199 : memref<1x32x1024xf32, #tpu.memory_space<vmem>> -> memref<32x1024xf32, #tpu.memory_space<vmem>>
        tpu.wait_dma2 semaphore(%run_scoped3A_177 : memref<!tpu.dma_semaphore, #tpu.memory_space<semaphore_mem>>) src(%dma_wait3A_200 : memref<32x1024xf32, #tpu.memory_space<vmem>>) dst(%dma_wait3A_196 : memref<32x1024xf32, #tpu.memory_space<hbm>>)
        tpu.yield
      }) : () -> ()
    } else {
    }
    %add3A_103 = arith.constant 256 : i32
    %add3A_104 = arith.addi %add3A_103, %add3A : i32
    %lt3A_105 = arith.constant 358 : i32
    %lt3A_106 = arith.cmpi slt, %add3A_104, %lt3A_105 : i32
    %convert_element_type3A_107 = arith.extui %lt3A_106 : i1 to i32
    %cond3A_108 = arith.constant 0 : i32
    %cond3A_109 = arith.cmpi ne, %convert_element_type3A_107, %cond3A_108 : i32
    scf.if %cond3A_109 {
      %mul3A_166 = arith.constant 32 : i32
      %mul3A_167 = arith.muli %add3A_104, %mul3A_166 : i32
      "tpu.region"() ({
        %run_scoped3A = tpu.sem_alloc : memref<!tpu.dma_semaphore, #tpu.memory_space<semaphore_mem>>
        %dma_start3A_177 = arith.constant 256 : i32
        %dma_start3A_178 = tpu.memref_slice %arg5[%dma_start3A_177] : memref<384xi32, #tpu.memory_space<vmem>> -> memref<32xi32, #tpu.memory_space<vmem>>
        %dma_start3A_179 = tpu.memref_slice %arg2[%mul3A_167] : memref<11456xi32, #tpu.memory_space<hbm>> -> memref<32xi32, #tpu.memory_space<hbm>>
        %dma_start3A_180 = arith.constant 256 : i32
        %dma_start3A_181 = tpu.memref_slice %arg5[%dma_start3A_180] : memref<384xi32, #tpu.memory_space<vmem>> -> memref<32xi32, #tpu.memory_space<vmem>>
        %dma_start3A_182 = tpu.memref_slice %arg2[%mul3A_167] : memref<11456xi32, #tpu.memory_space<hbm>> -> memref<32xi32, #tpu.memory_space<hbm>>
        tpu.enqueue_dma source(%dma_start3A_182 : memref<32xi32, #tpu.memory_space<hbm>>) target(%dma_start3A_181 : memref<32xi32, #tpu.memory_space<vmem>>) target_semaphore(%run_scoped3A : memref<!tpu.dma_semaphore, #tpu.memory_space<semaphore_mem>>)
        %dma_wait3A = arith.constant 256 : i32
        %dma_wait3A_183 = tpu.memref_slice %arg5[%dma_wait3A] : memref<384xi32, #tpu.memory_space<vmem>> -> memref<32xi32, #tpu.memory_space<vmem>>
        %dma_wait3A_184 = tpu.memref_slice %arg2[%mul3A_167] : memref<11456xi32, #tpu.memory_space<hbm>> -> memref<32xi32, #tpu.memory_space<hbm>>
        %dma_wait3A_185 = arith.constant 256 : i32
        %dma_wait3A_186 = tpu.memref_slice %arg5[%dma_wait3A_185] : memref<384xi32, #tpu.memory_space<vmem>> -> memref<32xi32, #tpu.memory_space<vmem>>
        %dma_wait3A_187 = tpu.memref_slice %arg2[%mul3A_167] : memref<11456xi32, #tpu.memory_space<hbm>> -> memref<32xi32, #tpu.memory_space<hbm>>
        tpu.wait_dma2 semaphore(%run_scoped3A : memref<!tpu.dma_semaphore, #tpu.memory_space<semaphore_mem>>) src(%dma_wait3A_187 : memref<32xi32, #tpu.memory_space<hbm>>) dst(%dma_wait3A_186 : memref<32xi32, #tpu.memory_space<vmem>>)
        tpu.yield
      }) : () -> ()
      %dma_start3A = arith.constant 0 : i32
      %dma_start3A_168 = arith.constant 0 : i32
      %dma_start3A_169 = arith.constant 0 : i32
      %dma_start3A_170 = tpu.memref_slice %arg6[%dma_start3A, %dma_start3A_168, %dma_start3A_169] : memref<2x32x1024xf32, #tpu.memory_space<vmem>> -> memref<1x32x1024xf32, #tpu.memory_space<vmem>>
      %dma_start3A_171 = tpu.memref_squeeze %dma_start3A_170 : memref<1x32x1024xf32, #tpu.memory_space<vmem>> -> memref<32x1024xf32, #tpu.memory_space<vmem>>
      %dma_start3A_172 = arith.constant 256 : i32
      %dma_start3A_173 = tpu.memref_slice %arg5[%dma_start3A_172] : memref<384xi32, #tpu.memory_space<vmem>> -> memref<32xi32, #tpu.memory_space<vmem>>
      %dma_start3A_174 = arith.constant 0 : i32
      %dma_start3A_175 = arith.constant 0 : i32
      %dma_start3A_176 = tpu.memref_slice %arg3[%dma_start3A_174, %dma_start3A_175] : memref<16384x1024xf32, #tpu.memory_space<hbm>> -> memref<16384x1024xf32, #tpu.memory_space<hbm>>
      tpu.enqueue_indirect_dma source(%dma_start3A_176 : memref<16384x1024xf32, #tpu.memory_space<hbm>>) target(%dma_start3A_171 : memref<32x1024xf32, #tpu.memory_space<vmem>>) offsets(%dma_start3A_173 : memref<32xi32, #tpu.memory_space<vmem>>) semaphore(%arg7 : memref<!tpu.dma_semaphore, #tpu.memory_space<semaphore_mem>>)
    } else {
    }
    %add3A_110 = arith.constant 224 : i32
    %add3A_111 = arith.addi %add3A_110, %add3A : i32
    %lt3A_112 = arith.constant 358 : i32
    %lt3A_113 = arith.cmpi slt, %add3A_111, %lt3A_112 : i32
    %convert_element_type3A_114 = arith.extui %lt3A_113 : i1 to i32
    %cond3A_115 = arith.constant 0 : i32
    %cond3A_116 = arith.cmpi ne, %convert_element_type3A_114, %cond3A_115 : i32
    scf.if %cond3A_116 {
      %dma_wait3A = arith.constant 1 : i32
      %dma_wait3A_166 = arith.constant 0 : i32
      %dma_wait3A_167 = arith.constant 0 : i32
      %dma_wait3A_168 = tpu.memref_slice %arg6[%dma_wait3A, %dma_wait3A_166, %dma_wait3A_167] : memref<2x32x1024xf32, #tpu.memory_space<vmem>> -> memref<1x32x1024xf32, #tpu.memory_space<vmem>>
      %dma_wait3A_169 = tpu.memref_squeeze %dma_wait3A_168 : memref<1x32x1024xf32, #tpu.memory_space<vmem>> -> memref<32x1024xf32, #tpu.memory_space<vmem>>
      %dma_wait3A_170 = arith.constant 224 : i32
      %dma_wait3A_171 = tpu.memref_slice %arg5[%dma_wait3A_170] : memref<384xi32, #tpu.memory_space<vmem>> -> memref<32xi32, #tpu.memory_space<vmem>>
      %dma_wait3A_172 = arith.constant 0 : i32
      %dma_wait3A_173 = arith.constant 0 : i32
      %dma_wait3A_174 = tpu.memref_slice %arg3[%dma_wait3A_172, %dma_wait3A_173] : memref<16384x1024xf32, #tpu.memory_space<hbm>> -> memref<16384x1024xf32, #tpu.memory_space<hbm>>
      tpu.wait_indirect_dma semaphore(%arg8 : memref<!tpu.dma_semaphore, #tpu.memory_space<semaphore_mem>>) src(%dma_wait3A_174 : memref<16384x1024xf32, #tpu.memory_space<hbm>>) dst(%dma_wait3A_169 : memref<32x1024xf32, #tpu.memory_space<vmem>>)
      %mul3A_175 = arith.constant 32 : i32
      %mul3A_176 = arith.muli %add3A_111, %mul3A_175 : i32
      %run_scoped3A = arith.constant 1 : i32
      "tpu.region"() ({
        %run_scoped3A_177 = tpu.sem_alloc : memref<!tpu.dma_semaphore, #tpu.memory_space<semaphore_mem>>
        %dma_start3A = arith.constant 0 : i32
        %dma_start3A_178 = arith.constant 0 : i32
        %dma_start3A_179 = tpu.memref_slice %arg6[%run_scoped3A, %dma_start3A, %dma_start3A_178] : memref<2x32x1024xf32, #tpu.memory_space<vmem>> -> memref<1x32x1024xf32, #tpu.memory_space<vmem>>
        %dma_start3A_180 = tpu.memref_squeeze %dma_start3A_179 : memref<1x32x1024xf32, #tpu.memory_space<vmem>> -> memref<32x1024xf32, #tpu.memory_space<vmem>>
        %dma_start3A_181 = arith.constant 0 : i32
        %dma_start3A_182 = tpu.memref_slice %arg4[%mul3A_176, %dma_start3A_181] : memref<11468x1024xf32, #tpu.memory_space<hbm>> -> memref<32x1024xf32, #tpu.memory_space<hbm>>
        %dma_start3A_183 = arith.constant 0 : i32
        %dma_start3A_184 = tpu.memref_slice %arg4[%mul3A_176, %dma_start3A_183] : memref<11468x1024xf32, #tpu.memory_space<hbm>> -> memref<32x1024xf32, #tpu.memory_space<hbm>>
        %dma_start3A_185 = arith.constant 0 : i32
        %dma_start3A_186 = arith.constant 0 : i32
        %dma_start3A_187 = tpu.memref_slice %arg6[%run_scoped3A, %dma_start3A_185, %dma_start3A_186] : memref<2x32x1024xf32, #tpu.memory_space<vmem>> -> memref<1x32x1024xf32, #tpu.memory_space<vmem>>
        %dma_start3A_188 = tpu.memref_squeeze %dma_start3A_187 : memref<1x32x1024xf32, #tpu.memory_space<vmem>> -> memref<32x1024xf32, #tpu.memory_space<vmem>>
        tpu.enqueue_dma source(%dma_start3A_188 : memref<32x1024xf32, #tpu.memory_space<vmem>>) target(%dma_start3A_184 : memref<32x1024xf32, #tpu.memory_space<hbm>>) target_semaphore(%run_scoped3A_177 : memref<!tpu.dma_semaphore, #tpu.memory_space<semaphore_mem>>)
        %dma_wait3A_189 = arith.constant 0 : i32
        %dma_wait3A_190 = arith.constant 0 : i32
        %dma_wait3A_191 = tpu.memref_slice %arg6[%run_scoped3A, %dma_wait3A_189, %dma_wait3A_190] : memref<2x32x1024xf32, #tpu.memory_space<vmem>> -> memref<1x32x1024xf32, #tpu.memory_space<vmem>>
        %dma_wait3A_192 = tpu.memref_squeeze %dma_wait3A_191 : memref<1x32x1024xf32, #tpu.memory_space<vmem>> -> memref<32x1024xf32, #tpu.memory_space<vmem>>
        %dma_wait3A_193 = arith.constant 0 : i32
        %dma_wait3A_194 = tpu.memref_slice %arg4[%mul3A_176, %dma_wait3A_193] : memref<11468x1024xf32, #tpu.memory_space<hbm>> -> memref<32x1024xf32, #tpu.memory_space<hbm>>
        %dma_wait3A_195 = arith.constant 0 : i32
        %dma_wait3A_196 = tpu.memref_slice %arg4[%mul3A_176, %dma_wait3A_195] : memref<11468x1024xf32, #tpu.memory_space<hbm>> -> memref<32x1024xf32, #tpu.memory_space<hbm>>
        %dma_wait3A_197 = arith.constant 0 : i32
        %dma_wait3A_198 = arith.constant 0 : i32
        %dma_wait3A_199 = tpu.memref_slice %arg6[%run_scoped3A, %dma_wait3A_197, %dma_wait3A_198] : memref<2x32x1024xf32, #tpu.memory_space<vmem>> -> memref<1x32x1024xf32, #tpu.memory_space<vmem>>
        %dma_wait3A_200 = tpu.memref_squeeze %dma_wait3A_199 : memref<1x32x1024xf32, #tpu.memory_space<vmem>> -> memref<32x1024xf32, #tpu.memory_space<vmem>>
        tpu.wait_dma2 semaphore(%run_scoped3A_177 : memref<!tpu.dma_semaphore, #tpu.memory_space<semaphore_mem>>) src(%dma_wait3A_200 : memref<32x1024xf32, #tpu.memory_space<vmem>>) dst(%dma_wait3A_196 : memref<32x1024xf32, #tpu.memory_space<hbm>>)
        tpu.yield
      }) : () -> ()
    } else {
    }
    %add3A_117 = arith.constant 288 : i32
    %add3A_118 = arith.addi %add3A_117, %add3A : i32
    %lt3A_119 = arith.constant 358 : i32
    %lt3A_120 = arith.cmpi slt, %add3A_118, %lt3A_119 : i32
    %convert_element_type3A_121 = arith.extui %lt3A_120 : i1 to i32
    %cond3A_122 = arith.constant 0 : i32
    %cond3A_123 = arith.cmpi ne, %convert_element_type3A_121, %cond3A_122 : i32
    scf.if %cond3A_123 {
      %mul3A_166 = arith.constant 32 : i32
      %mul3A_167 = arith.muli %add3A_118, %mul3A_166 : i32
      "tpu.region"() ({
        %run_scoped3A = tpu.sem_alloc : memref<!tpu.dma_semaphore, #tpu.memory_space<semaphore_mem>>
        %dma_start3A_177 = arith.constant 288 : i32
        %dma_start3A_178 = tpu.memref_slice %arg5[%dma_start3A_177] : memref<384xi32, #tpu.memory_space<vmem>> -> memref<32xi32, #tpu.memory_space<vmem>>
        %dma_start3A_179 = tpu.memref_slice %arg2[%mul3A_167] : memref<11456xi32, #tpu.memory_space<hbm>> -> memref<32xi32, #tpu.memory_space<hbm>>
        %dma_start3A_180 = arith.constant 288 : i32
        %dma_start3A_181 = tpu.memref_slice %arg5[%dma_start3A_180] : memref<384xi32, #tpu.memory_space<vmem>> -> memref<32xi32, #tpu.memory_space<vmem>>
        %dma_start3A_182 = tpu.memref_slice %arg2[%mul3A_167] : memref<11456xi32, #tpu.memory_space<hbm>> -> memref<32xi32, #tpu.memory_space<hbm>>
        tpu.enqueue_dma source(%dma_start3A_182 : memref<32xi32, #tpu.memory_space<hbm>>) target(%dma_start3A_181 : memref<32xi32, #tpu.memory_space<vmem>>) target_semaphore(%run_scoped3A : memref<!tpu.dma_semaphore, #tpu.memory_space<semaphore_mem>>)
        %dma_wait3A = arith.constant 288 : i32
        %dma_wait3A_183 = tpu.memref_slice %arg5[%dma_wait3A] : memref<384xi32, #tpu.memory_space<vmem>> -> memref<32xi32, #tpu.memory_space<vmem>>
        %dma_wait3A_184 = tpu.memref_slice %arg2[%mul3A_167] : memref<11456xi32, #tpu.memory_space<hbm>> -> memref<32xi32, #tpu.memory_space<hbm>>
        %dma_wait3A_185 = arith.constant 288 : i32
        %dma_wait3A_186 = tpu.memref_slice %arg5[%dma_wait3A_185] : memref<384xi32, #tpu.memory_space<vmem>> -> memref<32xi32, #tpu.memory_space<vmem>>
        %dma_wait3A_187 = tpu.memref_slice %arg2[%mul3A_167] : memref<11456xi32, #tpu.memory_space<hbm>> -> memref<32xi32, #tpu.memory_space<hbm>>
        tpu.wait_dma2 semaphore(%run_scoped3A : memref<!tpu.dma_semaphore, #tpu.memory_space<semaphore_mem>>) src(%dma_wait3A_187 : memref<32xi32, #tpu.memory_space<hbm>>) dst(%dma_wait3A_186 : memref<32xi32, #tpu.memory_space<vmem>>)
        tpu.yield
      }) : () -> ()
      %dma_start3A = arith.constant 1 : i32
      %dma_start3A_168 = arith.constant 0 : i32
      %dma_start3A_169 = arith.constant 0 : i32
      %dma_start3A_170 = tpu.memref_slice %arg6[%dma_start3A, %dma_start3A_168, %dma_start3A_169] : memref<2x32x1024xf32, #tpu.memory_space<vmem>> -> memref<1x32x1024xf32, #tpu.memory_space<vmem>>
      %dma_start3A_171 = tpu.memref_squeeze %dma_start3A_170 : memref<1x32x1024xf32, #tpu.memory_space<vmem>> -> memref<32x1024xf32, #tpu.memory_space<vmem>>
      %dma_start3A_172 = arith.constant 288 : i32
      %dma_start3A_173 = tpu.memref_slice %arg5[%dma_start3A_172] : memref<384xi32, #tpu.memory_space<vmem>> -> memref<32xi32, #tpu.memory_space<vmem>>
      %dma_start3A_174 = arith.constant 0 : i32
      %dma_start3A_175 = arith.constant 0 : i32
      %dma_start3A_176 = tpu.memref_slice %arg3[%dma_start3A_174, %dma_start3A_175] : memref<16384x1024xf32, #tpu.memory_space<hbm>> -> memref<16384x1024xf32, #tpu.memory_space<hbm>>
      tpu.enqueue_indirect_dma source(%dma_start3A_176 : memref<16384x1024xf32, #tpu.memory_space<hbm>>) target(%dma_start3A_171 : memref<32x1024xf32, #tpu.memory_space<vmem>>) offsets(%dma_start3A_173 : memref<32xi32, #tpu.memory_space<vmem>>) semaphore(%arg8 : memref<!tpu.dma_semaphore, #tpu.memory_space<semaphore_mem>>)
    } else {
    }
    %add3A_124 = arith.constant 256 : i32
    %add3A_125 = arith.addi %add3A_124, %add3A : i32
    %lt3A_126 = arith.constant 358 : i32
    %lt3A_127 = arith.cmpi slt, %add3A_125, %lt3A_126 : i32
    %convert_element_type3A_128 = arith.extui %lt3A_127 : i1 to i32
    %cond3A_129 = arith.constant 0 : i32
    %cond3A_130 = arith.cmpi ne, %convert_element_type3A_128, %cond3A_129 : i32
    scf.if %cond3A_130 {
      %dma_wait3A = arith.constant 0 : i32
      %dma_wait3A_166 = arith.constant 0 : i32
      %dma_wait3A_167 = arith.constant 0 : i32
      %dma_wait3A_168 = tpu.memref_slice %arg6[%dma_wait3A, %dma_wait3A_166, %dma_wait3A_167] : memref<2x32x1024xf32, #tpu.memory_space<vmem>> -> memref<1x32x1024xf32, #tpu.memory_space<vmem>>
      %dma_wait3A_169 = tpu.memref_squeeze %dma_wait3A_168 : memref<1x32x1024xf32, #tpu.memory_space<vmem>> -> memref<32x1024xf32, #tpu.memory_space<vmem>>
      %dma_wait3A_170 = arith.constant 256 : i32
      %dma_wait3A_171 = tpu.memref_slice %arg5[%dma_wait3A_170] : memref<384xi32, #tpu.memory_space<vmem>> -> memref<32xi32, #tpu.memory_space<vmem>>
      %dma_wait3A_172 = arith.constant 0 : i32
      %dma_wait3A_173 = arith.constant 0 : i32
      %dma_wait3A_174 = tpu.memref_slice %arg3[%dma_wait3A_172, %dma_wait3A_173] : memref<16384x1024xf32, #tpu.memory_space<hbm>> -> memref<16384x1024xf32, #tpu.memory_space<hbm>>
      tpu.wait_indirect_dma semaphore(%arg7 : memref<!tpu.dma_semaphore, #tpu.memory_space<semaphore_mem>>) src(%dma_wait3A_174 : memref<16384x1024xf32, #tpu.memory_space<hbm>>) dst(%dma_wait3A_169 : memref<32x1024xf32, #tpu.memory_space<vmem>>)
      %mul3A_175 = arith.constant 32 : i32
      %mul3A_176 = arith.muli %add3A_125, %mul3A_175 : i32
      %run_scoped3A = arith.constant 0 : i32
      "tpu.region"() ({
        %run_scoped3A_177 = tpu.sem_alloc : memref<!tpu.dma_semaphore, #tpu.memory_space<semaphore_mem>>
        %dma_start3A = arith.constant 0 : i32
        %dma_start3A_178 = arith.constant 0 : i32
        %dma_start3A_179 = tpu.memref_slice %arg6[%run_scoped3A, %dma_start3A, %dma_start3A_178] : memref<2x32x1024xf32, #tpu.memory_space<vmem>> -> memref<1x32x1024xf32, #tpu.memory_space<vmem>>
        %dma_start3A_180 = tpu.memref_squeeze %dma_start3A_179 : memref<1x32x1024xf32, #tpu.memory_space<vmem>> -> memref<32x1024xf32, #tpu.memory_space<vmem>>
        %dma_start3A_181 = arith.constant 0 : i32
        %dma_start3A_182 = tpu.memref_slice %arg4[%mul3A_176, %dma_start3A_181] : memref<11468x1024xf32, #tpu.memory_space<hbm>> -> memref<32x1024xf32, #tpu.memory_space<hbm>>
        %dma_start3A_183 = arith.constant 0 : i32
        %dma_start3A_184 = tpu.memref_slice %arg4[%mul3A_176, %dma_start3A_183] : memref<11468x1024xf32, #tpu.memory_space<hbm>> -> memref<32x1024xf32, #tpu.memory_space<hbm>>
        %dma_start3A_185 = arith.constant 0 : i32
        %dma_start3A_186 = arith.constant 0 : i32
        %dma_start3A_187 = tpu.memref_slice %arg6[%run_scoped3A, %dma_start3A_185, %dma_start3A_186] : memref<2x32x1024xf32, #tpu.memory_space<vmem>> -> memref<1x32x1024xf32, #tpu.memory_space<vmem>>
        %dma_start3A_188 = tpu.memref_squeeze %dma_start3A_187 : memref<1x32x1024xf32, #tpu.memory_space<vmem>> -> memref<32x1024xf32, #tpu.memory_space<vmem>>
        tpu.enqueue_dma source(%dma_start3A_188 : memref<32x1024xf32, #tpu.memory_space<vmem>>) target(%dma_start3A_184 : memref<32x1024xf32, #tpu.memory_space<hbm>>) target_semaphore(%run_scoped3A_177 : memref<!tpu.dma_semaphore, #tpu.memory_space<semaphore_mem>>)
        %dma_wait3A_189 = arith.constant 0 : i32
        %dma_wait3A_190 = arith.constant 0 : i32
        %dma_wait3A_191 = tpu.memref_slice %arg6[%run_scoped3A, %dma_wait3A_189, %dma_wait3A_190] : memref<2x32x1024xf32, #tpu.memory_space<vmem>> -> memref<1x32x1024xf32, #tpu.memory_space<vmem>>
        %dma_wait3A_192 = tpu.memref_squeeze %dma_wait3A_191 : memref<1x32x1024xf32, #tpu.memory_space<vmem>> -> memref<32x1024xf32, #tpu.memory_space<vmem>>
        %dma_wait3A_193 = arith.constant 0 : i32
        %dma_wait3A_194 = tpu.memref_slice %arg4[%mul3A_176, %dma_wait3A_193] : memref<11468x1024xf32, #tpu.memory_space<hbm>> -> memref<32x1024xf32, #tpu.memory_space<hbm>>
        %dma_wait3A_195 = arith.constant 0 : i32
        %dma_wait3A_196 = tpu.memref_slice %arg4[%mul3A_176, %dma_wait3A_195] : memref<11468x1024xf32, #tpu.memory_space<hbm>> -> memref<32x1024xf32, #tpu.memory_space<hbm>>
        %dma_wait3A_197 = arith.constant 0 : i32
        %dma_wait3A_198 = arith.constant 0 : i32
        %dma_wait3A_199 = tpu.memref_slice %arg6[%run_scoped3A, %dma_wait3A_197, %dma_wait3A_198] : memref<2x32x1024xf32, #tpu.memory_space<vmem>> -> memref<1x32x1024xf32, #tpu.memory_space<vmem>>
        %dma_wait3A_200 = tpu.memref_squeeze %dma_wait3A_199 : memref<1x32x1024xf32, #tpu.memory_space<vmem>> -> memref<32x1024xf32, #tpu.memory_space<vmem>>
        tpu.wait_dma2 semaphore(%run_scoped3A_177 : memref<!tpu.dma_semaphore, #tpu.memory_space<semaphore_mem>>) src(%dma_wait3A_200 : memref<32x1024xf32, #tpu.memory_space<vmem>>) dst(%dma_wait3A_196 : memref<32x1024xf32, #tpu.memory_space<hbm>>)
        tpu.yield
      }) : () -> ()
    } else {
    }
    %add3A_131 = arith.constant 320 : i32
    %add3A_132 = arith.addi %add3A_131, %add3A : i32
    %lt3A_133 = arith.constant 358 : i32
    %lt3A_134 = arith.cmpi slt, %add3A_132, %lt3A_133 : i32
    %convert_element_type3A_135 = arith.extui %lt3A_134 : i1 to i32
    %cond3A_136 = arith.constant 0 : i32
    %cond3A_137 = arith.cmpi ne, %convert_element_type3A_135, %cond3A_136 : i32
    scf.if %cond3A_137 {
      %mul3A_166 = arith.constant 32 : i32
      %mul3A_167 = arith.muli %add3A_132, %mul3A_166 : i32
      "tpu.region"() ({
        %run_scoped3A = tpu.sem_alloc : memref<!tpu.dma_semaphore, #tpu.memory_space<semaphore_mem>>
        %dma_start3A_177 = arith.constant 320 : i32
        %dma_start3A_178 = tpu.memref_slice %arg5[%dma_start3A_177] : memref<384xi32, #tpu.memory_space<vmem>> -> memref<32xi32, #tpu.memory_space<vmem>>
        %dma_start3A_179 = tpu.memref_slice %arg2[%mul3A_167] : memref<11456xi32, #tpu.memory_space<hbm>> -> memref<32xi32, #tpu.memory_space<hbm>>
        %dma_start3A_180 = arith.constant 320 : i32
        %dma_start3A_181 = tpu.memref_slice %arg5[%dma_start3A_180] : memref<384xi32, #tpu.memory_space<vmem>> -> memref<32xi32, #tpu.memory_space<vmem>>
        %dma_start3A_182 = tpu.memref_slice %arg2[%mul3A_167] : memref<11456xi32, #tpu.memory_space<hbm>> -> memref<32xi32, #tpu.memory_space<hbm>>
        tpu.enqueue_dma source(%dma_start3A_182 : memref<32xi32, #tpu.memory_space<hbm>>) target(%dma_start3A_181 : memref<32xi32, #tpu.memory_space<vmem>>) target_semaphore(%run_scoped3A : memref<!tpu.dma_semaphore, #tpu.memory_space<semaphore_mem>>)
        %dma_wait3A = arith.constant 320 : i32
        %dma_wait3A_183 = tpu.memref_slice %arg5[%dma_wait3A] : memref<384xi32, #tpu.memory_space<vmem>> -> memref<32xi32, #tpu.memory_space<vmem>>
        %dma_wait3A_184 = tpu.memref_slice %arg2[%mul3A_167] : memref<11456xi32, #tpu.memory_space<hbm>> -> memref<32xi32, #tpu.memory_space<hbm>>
        %dma_wait3A_185 = arith.constant 320 : i32
        %dma_wait3A_186 = tpu.memref_slice %arg5[%dma_wait3A_185] : memref<384xi32, #tpu.memory_space<vmem>> -> memref<32xi32, #tpu.memory_space<vmem>>
        %dma_wait3A_187 = tpu.memref_slice %arg2[%mul3A_167] : memref<11456xi32, #tpu.memory_space<hbm>> -> memref<32xi32, #tpu.memory_space<hbm>>
        tpu.wait_dma2 semaphore(%run_scoped3A : memref<!tpu.dma_semaphore, #tpu.memory_space<semaphore_mem>>) src(%dma_wait3A_187 : memref<32xi32, #tpu.memory_space<hbm>>) dst(%dma_wait3A_186 : memref<32xi32, #tpu.memory_space<vmem>>)
        tpu.yield
      }) : () -> ()
      %dma_start3A = arith.constant 0 : i32
      %dma_start3A_168 = arith.constant 0 : i32
      %dma_start3A_169 = arith.constant 0 : i32
      %dma_start3A_170 = tpu.memref_slice %arg6[%dma_start3A, %dma_start3A_168, %dma_start3A_169] : memref<2x32x1024xf32, #tpu.memory_space<vmem>> -> memref<1x32x1024xf32, #tpu.memory_space<vmem>>
      %dma_start3A_171 = tpu.memref_squeeze %dma_start3A_170 : memref<1x32x1024xf32, #tpu.memory_space<vmem>> -> memref<32x1024xf32, #tpu.memory_space<vmem>>
      %dma_start3A_172 = arith.constant 320 : i32
      %dma_start3A_173 = tpu.memref_slice %arg5[%dma_start3A_172] : memref<384xi32, #tpu.memory_space<vmem>> -> memref<32xi32, #tpu.memory_space<vmem>>
      %dma_start3A_174 = arith.constant 0 : i32
      %dma_start3A_175 = arith.constant 0 : i32
      %dma_start3A_176 = tpu.memref_slice %arg3[%dma_start3A_174, %dma_start3A_175] : memref<16384x1024xf32, #tpu.memory_space<hbm>> -> memref<16384x1024xf32, #tpu.memory_space<hbm>>
      tpu.enqueue_indirect_dma source(%dma_start3A_176 : memref<16384x1024xf32, #tpu.memory_space<hbm>>) target(%dma_start3A_171 : memref<32x1024xf32, #tpu.memory_space<vmem>>) offsets(%dma_start3A_173 : memref<32xi32, #tpu.memory_space<vmem>>) semaphore(%arg7 : memref<!tpu.dma_semaphore, #tpu.memory_space<semaphore_mem>>)
    } else {
    }
    %add3A_138 = arith.constant 288 : i32
    %add3A_139 = arith.addi %add3A_138, %add3A : i32
    %lt3A_140 = arith.constant 358 : i32
    %lt3A_141 = arith.cmpi slt, %add3A_139, %lt3A_140 : i32
    %convert_element_type3A_142 = arith.extui %lt3A_141 : i1 to i32
    %cond3A_143 = arith.constant 0 : i32
    %cond3A_144 = arith.cmpi ne, %convert_element_type3A_142, %cond3A_143 : i32
    scf.if %cond3A_144 {
      %dma_wait3A = arith.constant 1 : i32
      %dma_wait3A_166 = arith.constant 0 : i32
      %dma_wait3A_167 = arith.constant 0 : i32
      %dma_wait3A_168 = tpu.memref_slice %arg6[%dma_wait3A, %dma_wait3A_166, %dma_wait3A_167] : memref<2x32x1024xf32, #tpu.memory_space<vmem>> -> memref<1x32x1024xf32, #tpu.memory_space<vmem>>
      %dma_wait3A_169 = tpu.memref_squeeze %dma_wait3A_168 : memref<1x32x1024xf32, #tpu.memory_space<vmem>> -> memref<32x1024xf32, #tpu.memory_space<vmem>>
      %dma_wait3A_170 = arith.constant 288 : i32
      %dma_wait3A_171 = tpu.memref_slice %arg5[%dma_wait3A_170] : memref<384xi32, #tpu.memory_space<vmem>> -> memref<32xi32, #tpu.memory_space<vmem>>
      %dma_wait3A_172 = arith.constant 0 : i32
      %dma_wait3A_173 = arith.constant 0 : i32
      %dma_wait3A_174 = tpu.memref_slice %arg3[%dma_wait3A_172, %dma_wait3A_173] : memref<16384x1024xf32, #tpu.memory_space<hbm>> -> memref<16384x1024xf32, #tpu.memory_space<hbm>>
      tpu.wait_indirect_dma semaphore(%arg8 : memref<!tpu.dma_semaphore, #tpu.memory_space<semaphore_mem>>) src(%dma_wait3A_174 : memref<16384x1024xf32, #tpu.memory_space<hbm>>) dst(%dma_wait3A_169 : memref<32x1024xf32, #tpu.memory_space<vmem>>)
      %mul3A_175 = arith.constant 32 : i32
      %mul3A_176 = arith.muli %add3A_139, %mul3A_175 : i32
      %run_scoped3A = arith.constant 1 : i32
      "tpu.region"() ({
        %run_scoped3A_177 = tpu.sem_alloc : memref<!tpu.dma_semaphore, #tpu.memory_space<semaphore_mem>>
        %dma_start3A = arith.constant 0 : i32
        %dma_start3A_178 = arith.constant 0 : i32
        %dma_start3A_179 = tpu.memref_slice %arg6[%run_scoped3A, %dma_start3A, %dma_start3A_178] : memref<2x32x1024xf32, #tpu.memory_space<vmem>> -> memref<1x32x1024xf32, #tpu.memory_space<vmem>>
        %dma_start3A_180 = tpu.memref_squeeze %dma_start3A_179 : memref<1x32x1024xf32, #tpu.memory_space<vmem>> -> memref<32x1024xf32, #tpu.memory_space<vmem>>
        %dma_start3A_181 = arith.constant 0 : i32
        %dma_start3A_182 = tpu.memref_slice %arg4[%mul3A_176, %dma_start3A_181] : memref<11468x1024xf32, #tpu.memory_space<hbm>> -> memref<32x1024xf32, #tpu.memory_space<hbm>>
        %dma_start3A_183 = arith.constant 0 : i32
        %dma_start3A_184 = tpu.memref_slice %arg4[%mul3A_176, %dma_start3A_183] : memref<11468x1024xf32, #tpu.memory_space<hbm>> -> memref<32x1024xf32, #tpu.memory_space<hbm>>
        %dma_start3A_185 = arith.constant 0 : i32
        %dma_start3A_186 = arith.constant 0 : i32
        %dma_start3A_187 = tpu.memref_slice %arg6[%run_scoped3A, %dma_start3A_185, %dma_start3A_186] : memref<2x32x1024xf32, #tpu.memory_space<vmem>> -> memref<1x32x1024xf32, #tpu.memory_space<vmem>>
        %dma_start3A_188 = tpu.memref_squeeze %dma_start3A_187 : memref<1x32x1024xf32, #tpu.memory_space<vmem>> -> memref<32x1024xf32, #tpu.memory_space<vmem>>
        tpu.enqueue_dma source(%dma_start3A_188 : memref<32x1024xf32, #tpu.memory_space<vmem>>) target(%dma_start3A_184 : memref<32x1024xf32, #tpu.memory_space<hbm>>) target_semaphore(%run_scoped3A_177 : memref<!tpu.dma_semaphore, #tpu.memory_space<semaphore_mem>>)
        %dma_wait3A_189 = arith.constant 0 : i32
        %dma_wait3A_190 = arith.constant 0 : i32
        %dma_wait3A_191 = tpu.memref_slice %arg6[%run_scoped3A, %dma_wait3A_189, %dma_wait3A_190] : memref<2x32x1024xf32, #tpu.memory_space<vmem>> -> memref<1x32x1024xf32, #tpu.memory_space<vmem>>
        %dma_wait3A_192 = tpu.memref_squeeze %dma_wait3A_191 : memref<1x32x1024xf32, #tpu.memory_space<vmem>> -> memref<32x1024xf32, #tpu.memory_space<vmem>>
        %dma_wait3A_193 = arith.constant 0 : i32
        %dma_wait3A_194 = tpu.memref_slice %arg4[%mul3A_176, %dma_wait3A_193] : memref<11468x1024xf32, #tpu.memory_space<hbm>> -> memref<32x1024xf32, #tpu.memory_space<hbm>>
        %dma_wait3A_195 = arith.constant 0 : i32
        %dma_wait3A_196 = tpu.memref_slice %arg4[%mul3A_176, %dma_wait3A_195] : memref<11468x1024xf32, #tpu.memory_space<hbm>> -> memref<32x1024xf32, #tpu.memory_space<hbm>>
        %dma_wait3A_197 = arith.constant 0 : i32
        %dma_wait3A_198 = arith.constant 0 : i32
        %dma_wait3A_199 = tpu.memref_slice %arg6[%run_scoped3A, %dma_wait3A_197, %dma_wait3A_198] : memref<2x32x1024xf32, #tpu.memory_space<vmem>> -> memref<1x32x1024xf32, #tpu.memory_space<vmem>>
        %dma_wait3A_200 = tpu.memref_squeeze %dma_wait3A_199 : memref<1x32x1024xf32, #tpu.memory_space<vmem>> -> memref<32x1024xf32, #tpu.memory_space<vmem>>
        tpu.wait_dma2 semaphore(%run_scoped3A_177 : memref<!tpu.dma_semaphore, #tpu.memory_space<semaphore_mem>>) src(%dma_wait3A_200 : memref<32x1024xf32, #tpu.memory_space<vmem>>) dst(%dma_wait3A_196 : memref<32x1024xf32, #tpu.memory_space<hbm>>)
        tpu.yield
      }) : () -> ()
    } else {
    }
    %add3A_145 = arith.constant 352 : i32
    %add3A_146 = arith.addi %add3A_145, %add3A : i32
    %lt3A_147 = arith.constant 358 : i32
    %lt3A_148 = arith.cmpi slt, %add3A_146, %lt3A_147 : i32
    %convert_element_type3A_149 = arith.extui %lt3A_148 : i1 to i32
    %cond3A_150 = arith.constant 0 : i32
    %cond3A_151 = arith.cmpi ne, %convert_element_type3A_149, %cond3A_150 : i32
    scf.if %cond3A_151 {
      %mul3A_166 = arith.constant 32 : i32
      %mul3A_167 = arith.muli %add3A_146, %mul3A_166 : i32
      "tpu.region"() ({
        %run_scoped3A = tpu.sem_alloc : memref<!tpu.dma_semaphore, #tpu.memory_space<semaphore_mem>>
        %dma_start3A_177 = arith.constant 352 : i32
        %dma_start3A_178 = tpu.memref_slice %arg5[%dma_start3A_177] : memref<384xi32, #tpu.memory_space<vmem>> -> memref<32xi32, #tpu.memory_space<vmem>>
        %dma_start3A_179 = tpu.memref_slice %arg2[%mul3A_167] : memref<11456xi32, #tpu.memory_space<hbm>> -> memref<32xi32, #tpu.memory_space<hbm>>
        %dma_start3A_180 = arith.constant 352 : i32
        %dma_start3A_181 = tpu.memref_slice %arg5[%dma_start3A_180] : memref<384xi32, #tpu.memory_space<vmem>> -> memref<32xi32, #tpu.memory_space<vmem>>
        %dma_start3A_182 = tpu.memref_slice %arg2[%mul3A_167] : memref<11456xi32, #tpu.memory_space<hbm>> -> memref<32xi32, #tpu.memory_space<hbm>>
        tpu.enqueue_dma source(%dma_start3A_182 : memref<32xi32, #tpu.memory_space<hbm>>) target(%dma_start3A_181 : memref<32xi32, #tpu.memory_space<vmem>>) target_semaphore(%run_scoped3A : memref<!tpu.dma_semaphore, #tpu.memory_space<semaphore_mem>>)
        %dma_wait3A = arith.constant 352 : i32
        %dma_wait3A_183 = tpu.memref_slice %arg5[%dma_wait3A] : memref<384xi32, #tpu.memory_space<vmem>> -> memref<32xi32, #tpu.memory_space<vmem>>
        %dma_wait3A_184 = tpu.memref_slice %arg2[%mul3A_167] : memref<11456xi32, #tpu.memory_space<hbm>> -> memref<32xi32, #tpu.memory_space<hbm>>
        %dma_wait3A_185 = arith.constant 352 : i32
        %dma_wait3A_186 = tpu.memref_slice %arg5[%dma_wait3A_185] : memref<384xi32, #tpu.memory_space<vmem>> -> memref<32xi32, #tpu.memory_space<vmem>>
        %dma_wait3A_187 = tpu.memref_slice %arg2[%mul3A_167] : memref<11456xi32, #tpu.memory_space<hbm>> -> memref<32xi32, #tpu.memory_space<hbm>>
        tpu.wait_dma2 semaphore(%run_scoped3A : memref<!tpu.dma_semaphore, #tpu.memory_space<semaphore_mem>>) src(%dma_wait3A_187 : memref<32xi32, #tpu.memory_space<hbm>>) dst(%dma_wait3A_186 : memref<32xi32, #tpu.memory_space<vmem>>)
        tpu.yield
      }) : () -> ()
      %dma_start3A = arith.constant 1 : i32
      %dma_start3A_168 = arith.constant 0 : i32
      %dma_start3A_169 = arith.constant 0 : i32
      %dma_start3A_170 = tpu.memref_slice %arg6[%dma_start3A, %dma_start3A_168, %dma_start3A_169] : memref<2x32x1024xf32, #tpu.memory_space<vmem>> -> memref<1x32x1024xf32, #tpu.memory_space<vmem>>
      %dma_start3A_171 = tpu.memref_squeeze %dma_start3A_170 : memref<1x32x1024xf32, #tpu.memory_space<vmem>> -> memref<32x1024xf32, #tpu.memory_space<vmem>>
      %dma_start3A_172 = arith.constant 352 : i32
      %dma_start3A_173 = tpu.memref_slice %arg5[%dma_start3A_172] : memref<384xi32, #tpu.memory_space<vmem>> -> memref<32xi32, #tpu.memory_space<vmem>>
      %dma_start3A_174 = arith.constant 0 : i32
      %dma_start3A_175 = arith.constant 0 : i32
      %dma_start3A_176 = tpu.memref_slice %arg3[%dma_start3A_174, %dma_start3A_175] : memref<16384x1024xf32, #tpu.memory_space<hbm>> -> memref<16384x1024xf32, #tpu.memory_space<hbm>>
      tpu.enqueue_indirect_dma source(%dma_start3A_176 : memref<16384x1024xf32, #tpu.memory_space<hbm>>) target(%dma_start3A_171 : memref<32x1024xf32, #tpu.memory_space<vmem>>) offsets(%dma_start3A_173 : memref<32xi32, #tpu.memory_space<vmem>>) semaphore(%arg8 : memref<!tpu.dma_semaphore, #tpu.memory_space<semaphore_mem>>)
    } else {
    }
    %add3A_152 = arith.constant 320 : i32
    %add3A_153 = arith.addi %add3A_152, %add3A : i32
    %lt3A_154 = arith.constant 358 : i32
    %lt3A_155 = arith.cmpi slt, %add3A_153, %lt3A_154 : i32
    %convert_element_type3A_156 = arith.extui %lt3A_155 : i1 to i32
    %cond3A_157 = arith.constant 0 : i32
    %cond3A_158 = arith.cmpi ne, %convert_element_type3A_156, %cond3A_157 : i32
    scf.if %cond3A_158 {
      %dma_wait3A = arith.constant 0 : i32
      %dma_wait3A_166 = arith.constant 0 : i32
      %dma_wait3A_167 = arith.constant 0 : i32
      %dma_wait3A_168 = tpu.memref_slice %arg6[%dma_wait3A, %dma_wait3A_166, %dma_wait3A_167] : memref<2x32x1024xf32, #tpu.memory_space<vmem>> -> memref<1x32x1024xf32, #tpu.memory_space<vmem>>
      %dma_wait3A_169 = tpu.memref_squeeze %dma_wait3A_168 : memref<1x32x1024xf32, #tpu.memory_space<vmem>> -> memref<32x1024xf32, #tpu.memory_space<vmem>>
      %dma_wait3A_170 = arith.constant 320 : i32
      %dma_wait3A_171 = tpu.memref_slice %arg5[%dma_wait3A_170] : memref<384xi32, #tpu.memory_space<vmem>> -> memref<32xi32, #tpu.memory_space<vmem>>
      %dma_wait3A_172 = arith.constant 0 : i32
      %dma_wait3A_173 = arith.constant 0 : i32
      %dma_wait3A_174 = tpu.memref_slice %arg3[%dma_wait3A_172, %dma_wait3A_173] : memref<16384x1024xf32, #tpu.memory_space<hbm>> -> memref<16384x1024xf32, #tpu.memory_space<hbm>>
      tpu.wait_indirect_dma semaphore(%arg7 : memref<!tpu.dma_semaphore, #tpu.memory_space<semaphore_mem>>) src(%dma_wait3A_174 : memref<16384x1024xf32, #tpu.memory_space<hbm>>) dst(%dma_wait3A_169 : memref<32x1024xf32, #tpu.memory_space<vmem>>)
      %mul3A_175 = arith.constant 32 : i32
      %mul3A_176 = arith.muli %add3A_153, %mul3A_175 : i32
      %run_scoped3A = arith.constant 0 : i32
      "tpu.region"() ({
        %run_scoped3A_177 = tpu.sem_alloc : memref<!tpu.dma_semaphore, #tpu.memory_space<semaphore_mem>>
        %dma_start3A = arith.constant 0 : i32
        %dma_start3A_178 = arith.constant 0 : i32
        %dma_start3A_179 = tpu.memref_slice %arg6[%run_scoped3A, %dma_start3A, %dma_start3A_178] : memref<2x32x1024xf32, #tpu.memory_space<vmem>> -> memref<1x32x1024xf32, #tpu.memory_space<vmem>>
        %dma_start3A_180 = tpu.memref_squeeze %dma_start3A_179 : memref<1x32x1024xf32, #tpu.memory_space<vmem>> -> memref<32x1024xf32, #tpu.memory_space<vmem>>
        %dma_start3A_181 = arith.constant 0 : i32
        %dma_start3A_182 = tpu.memref_slice %arg4[%mul3A_176, %dma_start3A_181] : memref<11468x1024xf32, #tpu.memory_space<hbm>> -> memref<32x1024xf32, #tpu.memory_space<hbm>>
        %dma_start3A_183 = arith.constant 0 : i32
        %dma_start3A_184 = tpu.memref_slice %arg4[%mul3A_176, %dma_start3A_183] : memref<11468x1024xf32, #tpu.memory_space<hbm>> -> memref<32x1024xf32, #tpu.memory_space<hbm>>
        %dma_start3A_185 = arith.constant 0 : i32
        %dma_start3A_186 = arith.constant 0 : i32
        %dma_start3A_187 = tpu.memref_slice %arg6[%run_scoped3A, %dma_start3A_185, %dma_start3A_186] : memref<2x32x1024xf32, #tpu.memory_space<vmem>> -> memref<1x32x1024xf32, #tpu.memory_space<vmem>>
        %dma_start3A_188 = tpu.memref_squeeze %dma_start3A_187 : memref<1x32x1024xf32, #tpu.memory_space<vmem>> -> memref<32x1024xf32, #tpu.memory_space<vmem>>
        tpu.enqueue_dma source(%dma_start3A_188 : memref<32x1024xf32, #tpu.memory_space<vmem>>) target(%dma_start3A_184 : memref<32x1024xf32, #tpu.memory_space<hbm>>) target_semaphore(%run_scoped3A_177 : memref<!tpu.dma_semaphore, #tpu.memory_space<semaphore_mem>>)
        %dma_wait3A_189 = arith.constant 0 : i32
        %dma_wait3A_190 = arith.constant 0 : i32
        %dma_wait3A_191 = tpu.memref_slice %arg6[%run_scoped3A, %dma_wait3A_189, %dma_wait3A_190] : memref<2x32x1024xf32, #tpu.memory_space<vmem>> -> memref<1x32x1024xf32, #tpu.memory_space<vmem>>
        %dma_wait3A_192 = tpu.memref_squeeze %dma_wait3A_191 : memref<1x32x1024xf32, #tpu.memory_space<vmem>> -> memref<32x1024xf32, #tpu.memory_space<vmem>>
        %dma_wait3A_193 = arith.constant 0 : i32
        %dma_wait3A_194 = tpu.memref_slice %arg4[%mul3A_176, %dma_wait3A_193] : memref<11468x1024xf32, #tpu.memory_space<hbm>> -> memref<32x1024xf32, #tpu.memory_space<hbm>>
        %dma_wait3A_195 = arith.constant 0 : i32
        %dma_wait3A_196 = tpu.memref_slice %arg4[%mul3A_176, %dma_wait3A_195] : memref<11468x1024xf32, #tpu.memory_space<hbm>> -> memref<32x1024xf32, #tpu.memory_space<hbm>>
        %dma_wait3A_197 = arith.constant 0 : i32
        %dma_wait3A_198 = arith.constant 0 : i32
        %dma_wait3A_199 = tpu.memref_slice %arg6[%run_scoped3A, %dma_wait3A_197, %dma_wait3A_198] : memref<2x32x1024xf32, #tpu.memory_space<vmem>> -> memref<1x32x1024xf32, #tpu.memory_space<vmem>>
        %dma_wait3A_200 = tpu.memref_squeeze %dma_wait3A_199 : memref<1x32x1024xf32, #tpu.memory_space<vmem>> -> memref<32x1024xf32, #tpu.memory_space<vmem>>
        tpu.wait_dma2 semaphore(%run_scoped3A_177 : memref<!tpu.dma_semaphore, #tpu.memory_space<semaphore_mem>>) src(%dma_wait3A_200 : memref<32x1024xf32, #tpu.memory_space<vmem>>) dst(%dma_wait3A_196 : memref<32x1024xf32, #tpu.memory_space<hbm>>)
        tpu.yield
      }) : () -> ()
    } else {
    }
    %add3A_159 = arith.constant 352 : i32
    %add3A_160 = arith.addi %add3A_159, %add3A : i32
    %lt3A_161 = arith.constant 358 : i32
    %lt3A_162 = arith.cmpi slt, %add3A_160, %lt3A_161 : i32
    %convert_element_type3A_163 = arith.extui %lt3A_162 : i1 to i32
    %cond3A_164 = arith.constant 0 : i32
    %cond3A_165 = arith.cmpi ne, %convert_element_type3A_163, %cond3A_164 : i32
    scf.if %cond3A_165 {
      %dma_wait3A = arith.constant 1 : i32
      %dma_wait3A_166 = arith.constant 0 : i32
      %dma_wait3A_167 = arith.constant 0 : i32
      %dma_wait3A_168 = tpu.memref_slice %arg6[%dma_wait3A, %dma_wait3A_166, %dma_wait3A_167] : memref<2x32x1024xf32, #tpu.memory_space<vmem>> -> memref<1x32x1024xf32, #tpu.memory_space<vmem>>
      %dma_wait3A_169 = tpu.memref_squeeze %dma_wait3A_168 : memref<1x32x1024xf32, #tpu.memory_space<vmem>> -> memref<32x1024xf32, #tpu.memory_space<vmem>>
      %dma_wait3A_170 = arith.constant 352 : i32
      %dma_wait3A_171 = tpu.memref_slice %arg5[%dma_wait3A_170] : memref<384xi32, #tpu.memory_space<vmem>> -> memref<32xi32, #tpu.memory_space<vmem>>
      %dma_wait3A_172 = arith.constant 0 : i32
      %dma_wait3A_173 = arith.constant 0 : i32
      %dma_wait3A_174 = tpu.memref_slice %arg3[%dma_wait3A_172, %dma_wait3A_173] : memref<16384x1024xf32, #tpu.memory_space<hbm>> -> memref<16384x1024xf32, #tpu.memory_space<hbm>>
      tpu.wait_indirect_dma semaphore(%arg8 : memref<!tpu.dma_semaphore, #tpu.memory_space<semaphore_mem>>) src(%dma_wait3A_174 : memref<16384x1024xf32, #tpu.memory_space<hbm>>) dst(%dma_wait3A_169 : memref<32x1024xf32, #tpu.memory_space<vmem>>)
      %mul3A_175 = arith.constant 32 : i32
      %mul3A_176 = arith.muli %add3A_160, %mul3A_175 : i32
      %run_scoped3A = arith.constant 1 : i32
      "tpu.region"() ({
        %run_scoped3A_177 = tpu.sem_alloc : memref<!tpu.dma_semaphore, #tpu.memory_space<semaphore_mem>>
        %dma_start3A = arith.constant 0 : i32
        %dma_start3A_178 = arith.constant 0 : i32
        %dma_start3A_179 = tpu.memref_slice %arg6[%run_scoped3A, %dma_start3A, %dma_start3A_178] : memref<2x32x1024xf32, #tpu.memory_space<vmem>> -> memref<1x32x1024xf32, #tpu.memory_space<vmem>>
        %dma_start3A_180 = tpu.memref_squeeze %dma_start3A_179 : memref<1x32x1024xf32, #tpu.memory_space<vmem>> -> memref<32x1024xf32, #tpu.memory_space<vmem>>
        %dma_start3A_181 = arith.constant 0 : i32
        %dma_start3A_182 = tpu.memref_slice %arg4[%mul3A_176, %dma_start3A_181] : memref<11468x1024xf32, #tpu.memory_space<hbm>> -> memref<32x1024xf32, #tpu.memory_space<hbm>>
        %dma_start3A_183 = arith.constant 0 : i32
        %dma_start3A_184 = tpu.memref_slice %arg4[%mul3A_176, %dma_start3A_183] : memref<11468x1024xf32, #tpu.memory_space<hbm>> -> memref<32x1024xf32, #tpu.memory_space<hbm>>
        %dma_start3A_185 = arith.constant 0 : i32
        %dma_start3A_186 = arith.constant 0 : i32
        %dma_start3A_187 = tpu.memref_slice %arg6[%run_scoped3A, %dma_start3A_185, %dma_start3A_186] : memref<2x32x1024xf32, #tpu.memory_space<vmem>> -> memref<1x32x1024xf32, #tpu.memory_space<vmem>>
        %dma_start3A_188 = tpu.memref_squeeze %dma_start3A_187 : memref<1x32x1024xf32, #tpu.memory_space<vmem>> -> memref<32x1024xf32, #tpu.memory_space<vmem>>
        tpu.enqueue_dma source(%dma_start3A_188 : memref<32x1024xf32, #tpu.memory_space<vmem>>) target(%dma_start3A_184 : memref<32x1024xf32, #tpu.memory_space<hbm>>) target_semaphore(%run_scoped3A_177 : memref<!tpu.dma_semaphore, #tpu.memory_space<semaphore_mem>>)
        %dma_wait3A_189 = arith.constant 0 : i32
        %dma_wait3A_190 = arith.constant 0 : i32
        %dma_wait3A_191 = tpu.memref_slice %arg6[%run_scoped3A, %dma_wait3A_189, %dma_wait3A_190] : memref<2x32x1024xf32, #tpu.memory_space<vmem>> -> memref<1x32x1024xf32, #tpu.memory_space<vmem>>
        %dma_wait3A_192 = tpu.memref_squeeze %dma_wait3A_191 : memref<1x32x1024xf32, #tpu.memory_space<vmem>> -> memref<32x1024xf32, #tpu.memory_space<vmem>>
        %dma_wait3A_193 = arith.constant 0 : i32
        %dma_wait3A_194 = tpu.memref_slice %arg4[%mul3A_176, %dma_wait3A_193] : memref<11468x1024xf32, #tpu.memory_space<hbm>> -> memref<32x1024xf32, #tpu.memory_space<hbm>>
        %dma_wait3A_195 = arith.constant 0 : i32
        %dma_wait3A_196 = tpu.memref_slice %arg4[%mul3A_176, %dma_wait3A_195] : memref<11468x1024xf32, #tpu.memory_space<hbm>> -> memref<32x1024xf32, #tpu.memory_space<hbm>>
        %dma_wait3A_197 = arith.constant 0 : i32
        %dma_wait3A_198 = arith.constant 0 : i32
        %dma_wait3A_199 = tpu.memref_slice %arg6[%run_scoped3A, %dma_wait3A_197, %dma_wait3A_198] : memref<2x32x1024xf32, #tpu.memory_space<vmem>> -> memref<1x32x1024xf32, #tpu.memory_space<vmem>>
        %dma_wait3A_200 = tpu.memref_squeeze %dma_wait3A_199 : memref<1x32x1024xf32, #tpu.memory_space<vmem>> -> memref<32x1024xf32, #tpu.memory_space<vmem>>
        tpu.wait_dma2 semaphore(%run_scoped3A_177 : memref<!tpu.dma_semaphore, #tpu.memory_space<semaphore_mem>>) src(%dma_wait3A_200 : memref<32x1024xf32, #tpu.memory_space<vmem>>) dst(%dma_wait3A_196 : memref<32x1024xf32, #tpu.memory_space<hbm>>)
        tpu.yield
      }) : () -> ()
    } else {
    }
    return
  }
}

</mosaic_0001>

<sc_bundles>
// kernel: _sc_gather.3.cloned.1.call-start
scs
__scs_entry_jumppad:
0x0: {  	(pc) =	sbr.rel $0x88, $3  }
0x1: {  	(tag) =	ssettag $0x0;
	lr =	simm.s32 $0x1  }
0x2: {  	[smem:$0x3F9F] =	sst lr;
	_ =	strace $0xD0000000  }
0x3: {  	_ = 	snop  }
0x4: {  	_ = 	snop  }
0x5: {  	_ = 	snop  }
0x6: {  	_ = 	snop  }
0x7: {  	_ = 	snop  }
__scs_overlays_trampoline_lowered:
0x8: {  	[smem:$0x3FAE] =	sst s0  }
0x9: {  	[smem:$0x3FAF] =	sst s1  }
0xa: {  	[smem:$0x3FB0] =	sst s2  }
0xb: {  	[smem:$0x3FB1] =	sst s3  }
0xc: {  	[smem:$0x3FB2] =	sst s4  }
0xd: {  	[smem:$0x3FB3] =	sst s5  }
0xe: {  	[smem:$0x3FB4] =	sst s6  }
0xf: {  	[smem:$0x3FB5] =	sst s7  }
0x10: {  	[smem:$0x3FB6] =	sst s8  }
0x11: {  	[smem:$0x3FB7] =	sst s9;
	s0 =	simm.s32 @!p0 $0x0  }
0x12: {  	s1 =	sld [smem:$0x3F9D];
	s0 =	simm.s32 @p0 $0x1  }
0x13: {  	[smem:$0x3FB8] =	sst s0;
	s0 =	simm.s32 @!p1 $0x0  }
0x14: {  	s2 =	sld [smem:$0x3F9C];
	s0 =	simm.s32 @p1 $0x1  }
0x15: {  	[smem:$0x3FB9] =	sst s0;
	s0 =	simm.s32 @!p2 $0x0  }
0x16: {  	s3 =	sld [smem:$0x3FDB];
	s0 =	simm.s32 @p2 $0x1  }
0x17: {  	s4 =	simm.s32 $0x1BF5;
	[smem:$0x3FBB] =	sst s0  }
0x18: {  	s0 =	sld [smem:$0x3F9E];
	_ =	swait.ge [sflag:s4], $0x0  }
0x19: {  	s7 =	sld [smem:$0x3F9F]  }
0x1a: {  	s8 =	sadd.s32 $0xFFFFE003, lr  }
0x1b: {  	s9 =	sadd.s32 $0xFFFFFEF7, lr;
	s5 =	simm.s32 $0xFFFFFFFF;
	p2 =	slt.u32 s8, $0xFFFFF086  }
0x1c: {  	p1 =	slt.u32 s9, $0xF7A;
	s5 =	simm.s32 @!p2 $0x0  }
0x1d: {  	s5 =	simm.s32 @p1 $0x1;
	p0 =	seq.s32 s7, s2  }
0x1e: {  	s7 =	smul.u32 @!p0 $0xF7A, s2;
	p2 =	seq.s32 @!p0 s5, $0x0  }
0x1f: {  	s9 =	smul.u32 $0xF7A, s1;
	s8 =	simm.s32 @!p0 $0x1BF5;
	p2 =	por !p2, p0  }
0x20: {  	[sflag:s8] =	ssyncset.s32 @!p0 $0xFFFFF086;
	s6 =	sadd.s32 @!p0 s3, s7;
	s7 =	simm.s32 @!p0 $0x108  }
0x21: {  	s3 =	sadd.s32 s3, s9;
	s6 =	sadd.s32 @!p0 $0x88, s6;
	s7 =	simm.s32 @p2 $0x1082  }
0x22: {  	[simem:s7], [sflag:s8] =	dma.local @!p0 [hbm:s6], $0xF7A  }
0x23: {  	s9 =	sor.u32 $0xD0000000, s2;
	s6 =	simm.s32 $0x108;
	_ =	swait.ge @!p0 [sflag:s8], $0x0  }
0x24: {  	s3 =	sadd.s32 $0x88, s3;
	s6 =	simm.s32 @!p1 $0x1082;
	[sflag:s4] =	ssyncset.s32 $0xFFFFF086  }
0x25: {  	[simem:s6], [sflag:s4] =	dma.local [hbm:s3], $0xF7A  }
0x26: {  	[smem:$0x3F9F] =	sst s1;
	(tag) =	ssettag s2;
	_ =	strace s9  }
0x27: {  	s1 =	sld [smem:$0x3FAF]  }
0x28: {  	s2 =	sld [smem:$0x3FB0]  }
0x29: {  	s4 =	sld [smem:$0x3FB2]  }
0x2a: {  	p0 =	seq.s32 s5, $0x0;
	s5 =	sld [smem:$0x3FB3]  }
0x2b: {  	s6 =	sld [smem:$0x3FB4]  }
0x2c: {  	s7 =	sld [smem:$0x3FB5]  }
0x2d: {  	s3 =	simm.s32 $0x108;
	s8 =	sld [smem:$0x3FB6]  }
0x2e: {  	s3 =	simm.s32 @!p0 $0x1082;
	s9 =	sld [smem:$0x3FB7]  }
0x2f: {  	lr =	sadd.s32 s0, s3;
	s0 =	sld [smem:$0x3FAE]  }
0x30: {  	s3 =	sld [smem:$0x3FB1]  }
0x31: {  	[smem:$0x3FBA] =	sst s10  }
0x32: {  	s10 =	sld [smem:$0x3FB8];
	_ =	sdelay $0x3  }
0x33: {  	p0 =	seq.s32 s10, $0x1;
	s10 =	sld [smem:$0x3FBA];
	_ =	sdelay $0x3  }
0x34: {  	[smem:$0x3FBA] =	sst s10  }
0x35: {  	s10 =	sld [smem:$0x3FB9];
	_ =	sdelay $0x3  }
0x36: {  	p1 =	seq.s32 s10, $0x1;
	s10 =	sld [smem:$0x3FBA];
	_ =	sdelay $0x3  }
0x37: {  	[smem:$0x3FBA] =	sst s10  }
0x38: {  	s10 =	sld [smem:$0x3FBB]  }
0x39: {  	_ = 	snop;
	(pc) =	sbr.ind lr, $3  }
0x3a: {  	_ = 	snop  }
0x3b: {  	_ = 	snop  }
0x3c: {  	p2 =	seq.s32 s10, $0x1;
	s10 =	sld [smem:$0x3FBA]  }
0x3d: {  	_ =	shalt  }
0x3e: {  	_ =	shalt  }
0x3f: {  	_ =	shalt  }
0x40: {  	_ =	shalt  }
0x41: {  	_ =	shalt  }
0x42: {  	_ =	shalt  }
0x43: {  	_ =	shalt  }
0x44: {  	_ =	shalt  }
0x45: {  	_ =	shalt  }
0x46: {  	_ =	shalt  }
0x47: {  	_ =	shalt  }
0x48: {  	_ =	shalt  }
0x49: {  	_ =	shalt  }
0x4a: {  	_ =	shalt  }
0x4b: {  	_ =	shalt  }
0x4c: {  	_ =	shalt  }
0x4d: {  	_ =	shalt  }
0x4e: {  	_ =	shalt  }
0x4f: {  	_ =	shalt  }
0x50: {  	_ =	shalt  }
0x51: {  	_ =	shalt  }
0x52: {  	_ =	shalt  }
0x53: {  	_ =	shalt  }
0x54: {  	_ =	shalt  }
0x55: {  	_ =	shalt  }
0x56: {  	_ =	shalt  }
0x57: {  	_ =	shalt  }
0x58: {  	_ =	shalt  }
0x59: {  	_ =	shalt  }
0x5a: {  	_ =	shalt  }
0x5b: {  	_ =	shalt  }
0x5c: {  	_ =	shalt  }
0x5d: {  	_ =	shalt  }
0x5e: {  	_ =	shalt  }
0x5f: {  	_ =	shalt  }
0x60: {  	_ =	shalt  }
0x61: {  	_ =	shalt  }
0x62: {  	_ =	shalt  }
0x63: {  	_ =	shalt  }
0x64: {  	_ =	shalt  }
0x65: {  	_ =	shalt  }
0x66: {  	_ =	shalt  }
0x67: {  	_ =	shalt  }
0x68: {  	_ =	shalt  }
0x69: {  	_ =	shalt  }
0x6a: {  	_ =	shalt  }
0x6b: {  	_ =	shalt  }
0x6c: {  	_ =	shalt  }
0x6d: {  	_ =	shalt  }
0x6e: {  	_ =	shalt  }
0x6f: {  	_ =	shalt  }
0x70: {  	_ =	shalt  }
0x71: {  	_ =	shalt  }
0x72: {  	_ =	shalt  }
0x73: {  	_ =	shalt  }
0x74: {  	_ =	shalt  }
0x75: {  	_ =	shalt  }
0x76: {  	_ =	shalt  }
0x77: {  	_ =	shalt  }
0x78: {  	_ =	shalt  }
0x79: {  	_ =	shalt  }
0x7a: {  	_ =	shalt  }
0x7b: {  	_ =	shalt  }
0x7c: {  	_ =	shalt  }
0x7d: {  	_ =	shalt  }
0x7e: {  	_ =	shalt  }
0x7f: {  	_ =	shalt  }
0x80: {  	_ =	shalt  }
0x81: {  	_ =	shalt  }
0x82: {  	_ =	shalt  }
0x83: {  	_ =	shalt  }
0x84: {  	_ =	shalt  }
0x85: {  	_ =	shalt  }
0x86: {  	_ =	shalt  }
0x87: {  	_ =	shalt  }
.Lfunc_end0:
.L_simem_size_0:
called_computation_lowered:
.L_overlay_start_0:
0x88: {  	s2 =	sld [smem:$0x3FD9]  }
0x89: {  	s3 =	sld [smem:$0x3FFE];
	_ =	sdelay $0x1  }
0x8a: {  	s1 =	srdreg.scid  }
0x8b: {  	s0 =	sand.u32 $0x1, s1  }
0x8c: {  	s18 =	sshll.u32 s0, $0xA;
	s2 =	sadd.s32 s3, s2  }
0x8d: {  	s2 =	sadd.s32 s2, s18  }
0x8e: {  	[smem:$0x3FC6] =	sst s2  }
0x8f: {  	_ = 	snop  }
0x90: {  	s2 =	sld [smem:$0x3FC9]  }
0x91: {  	s19 =	sld [smem:$0x3FC8]  }
0x92: {  	s4 =	sld [smem:$0x3FD0];
	(tm) =	ssettm $0x1  }
0x93: {  	s5 =	sld [smem:$0x3FFB];
	_ =	sdelay $0x3  }
0x94: {  	_ =	strace s5  }
0x95: {  	s5 =	sld [smem:$0x3FFC];
	_ =	sdelay $0x3  }
0x96: {  	_ =	strace s5  }
0x97: {  	s5 =	sld [smem:$0x3FFD];
	_ =	sdelay $0x3  }
0x98: {  	_ =	strace s5  }
0x99: {  	_ =	strace $0x8FFFFFFF  }
0x9a: {  	s20 =	sld [smem:$0x3FDB];
	_ =	sdelay $0x1  }
0x9b: {  	s6 =	simm.s32 $_scs_section_size  }
0x9c: {  	s7 =	simm.s32 $_size__tile_overlayer_lowered;
	s8 =	simm.s32 $_tile_overlayer_lowered  }
0x9d: {  	s23 =	simm.s32 $0x1BFF;
	s22 =	sshll.u32 s8, $0x1;
	s5 =	sadd.s32 s6, s20  }
0x9e: {  	s9 =	simm.s32 $0x0;
	s21 =	sshll.u32 s7, $0x1;
	s7 =	sadd.s32 s22, s5  }
0x9f: {  	[timem:s9], [sflag:s23] =	dma.local [hbm:s7], s21  }
0xa0: {  	_ =	swait.ge [sflag:s23], s21  }
0xa1: {  	s6 =	ssub.s32 $0x0, s21;
	[sflag:s23] =	ssyncset.done $0x0  }
0xa2: {  	[sflag:s23] =	ssyncadd.s32 s6;
	_ =	sdelay $0x1  }
0xa3: {  	s24 =	simm.s32 $0x1B8B  }
0xa4: {  	_ =	swait.ge [sflag:s24], $0x1  }
0xa5: {  	[sflag:s24] =	ssyncset.done $0x0  }
0xa6: {  	s25 =	simm.s32 $0x1B8E;
	[sflag:s24] =	ssyncadd.s32 $0xFFFFFFFF  }
0xa7: {  	s26 =	simm.s32 $execute0_lowered;
	[smem:$0x3FD2] =	sst s25  }
0xa8: {  	s6 =	sshll.u32 s26, $0x1;
	_ =	strace $0x80000046;
	[dreg:$0x1] =	wrdreg $0xFFFFFFFF  }
0xa9: {  	s28 =	simm.s32 $_size_execute0_lowered;
	s5 =	sadd.s32 s5, s6;
	[dreg:$0x0] =	wrdreg $0x0  }
0xaa: {  	s6 =	sshll.u32 s28, $0x1;
	[dreg:$0x2] =	wrdreg s5  }
0xab: {  	[dreg:$0x3] =	wrdreg s6  }
0xac: {  	[dreg:$0x4] =	wrdreg $0xC0  }
0xad: {  	_ =	task [dreg:s9], $0x5FFFF  }
0xae: {  	[dreg:$0x1] =	wrdreg $0xFFFFFFFF  }
0xaf: {  	[dreg:$0x0] =	wrdreg $0x60  }
0xb0: {  	[dreg:$0x2] =	wrdreg s2  }
0xb1: {  	[dreg:$0x3] =	wrdreg s19  }
0xb2: {  	[dreg:$0x4] =	wrdreg s4  }
0xb3: {  	[dreg:$0x5] =	wrdreg $0x9  }
0xb4: {  	_ =	task.clear_ibuf [dreg:s9], $0x6FFFF;
	_ =	strace $0x90000046  }
0xb5: {  	s29 =	simm.s32 $0x9;
	_ =	strace $0x80000048  }
0xb6: {  	_ =	swait.ge [sflag:s29], $0x1  }
0xb7: {  	[sflag:s29] =	ssyncadd.s32 $0xFFFFFFFF  }
0xb8: {  	_ =	strace $0x90000048  }
0xb9: {  	_ =	sfence  }
0xba: {  	s30 =	sld [smem:$0x0];
	_ =	sdelay $0x2  }
0xbb: {  	s31 =	sshll.u32 s1, $0xD;
	s1 =	sshrl.u32 s1, $0x2  }
0xbc: {  	s3 =	sand.u32 $0x4000, s31;
	s1 =	sadd.s32 s1, s30  }
0xbd: {  	s0 =	sor.u32 s3, s0;
	s1 =	sshll.u32 s1, $0x11  }
0xbe: {  	s0 =	sor.u32 s1, s0  }
0xbf: {  	s0 =	sadd.s32 $0x8F2B, s0  }
0xc0: {  	[sflag:s0] =	ssyncadd.remote.s32 $0x1  }
0xc1: {  	_ =	sfence.sel $0xFFFF  }
0xc2: {  	[dreg:$0x0] =	wrdreg $0xFFFFFFFF;
	(pc) =	sbr.abs _section_cstart, $3  }
0xc3: {  	[dreg:$0x1] =	wrdreg $0xFFFFFFFF  }
0xc4: {  	_ =	task.clear_ibuf [dreg:s9], $0x2FFFF;
	_ =	strace $0x9FFFFFFF  }
0xc5: {  	(tm) =	ssettm $0x7FFFFFFF  }
tec
execute0_lowered:
.L_overlay_start_1:
0x0: {  	(tag) =	ssettag $0x1  }
0x1: {  	s0 =	srdreg.scid;
	s3 =	rddreg [dreg:$0x0]  }
0x2: {  	s17 =	stileid.u32;
	s28 =	rddreg [dreg:$0x2];
	s0 =	sand.u32 $0x1, s0  }
0x3: {  	s29 =	simm.s32 $0x180;
	s2 =	sshll.u32 s17, $0x1;
	s1 =	ssub.s32 $0x2, s0  }
0x4: {  	p0 =	sgt.u32 s17, $0x2;
	s2 =	sor.u32 s0, s2;
	s4 =	sshrl.u32 s1, $0x1  }
0x5: {  	s5 =	sshll.u32 s2, $0x2;
	s19 =	sor.u32 $0xC0, s2;
	s20 =	sor.u32 $0xE0, s2  }
0x6: {  	s23 =	sor.u32 $0x120, s2;
	s24 =	sor.u32 $0x140, s2;
	s0 =	ssub.s32 s1, s4  }
0x7: {  	s1 =	sor.u32 $0x20, s2;
	s4 =	sor.u32 $0x40, s2;
	s5 =	sadd.s32 s3, s5  }
0x8: {  	s11 =	sshll.u32 s19, $0x2;
	s12 =	sshll.u32 s20, $0x2;
	s6 =	sshll.u32 s1, $0x2  }
0x9: {  	s7 =	sshll.u32 s4, $0x2;
	[dreg:$0x4] =	wrdreg s5;
	s5 =	sor.u32 $0x60, s2  }
0xa: {  	s11 =	sadd.s32 s3, s11;
	s21 =	sadd.s32 s3, s12;
	s1 =	sshll.u32 s1, $0xC  }
0xb: {  	s14 =	sadd.s32 s3, s6;
	s15 =	sadd.s32 s3, s7;
	[dreg:$0xa] =	wrdreg s11  }
0xc: {  	s6 =	sor.u32 $0x80, s2;
	s7 =	sor.u32 $0xA0, s2;
	[dreg:$0xb] =	wrdreg s21  }
0xd: {  	s8 =	sshll.u32 s5, $0x2;
	s1 =	sadd.s32 s28, s1;
	[dreg:$0x5] =	wrdreg s14  }
0xe: {  	[dreg:$0x6] =	wrdreg s15;
	s9 =	sshll.u32 s6, $0x2;
	s10 =	sshll.u32 s7, $0x2  }
0xf: {  	s8 =	sadd.s32 s3, s8;
	s14 =	sor.u32 $0x160, s2;
	[dreg:$0x11] =	wrdreg s1  }
0x10: {  	s15 =	sshll.u32 s24, $0x2;
	[dreg:$0x7] =	wrdreg s8;
	s16 =	sadd.s32 s3, s9  }
0x11: {  	s18 =	sadd.s32 s3, s10;
	s10 =	sor.u32 $0x100, s2;
	[dreg:$0x8] =	wrdreg s16  }
0x12: {  	s26 =	sadd.s32 s3, s15;
	s2 =	sshll.u32 s2, $0xC;
	[dreg:$0x9] =	wrdreg s18  }
0x13: {  	s17 =	simm.s32 $0x1;
	[dreg:$0xe] =	wrdreg s26;
	s2 =	sadd.s32 s28, s2  }
0x14: {  	s25 =	sshll.u32 s23, $0x2;
	s13 =	sshll.u32 s10, $0x2;
	[dreg:$0x10] =	wrdreg s2  }
0x15: {  	s22 =	sadd.s32 s3, s13;
	s13 =	sadd.s32 s3, s25;
	s25 =	rddreg [dreg:$0x1]  }
0x16: {  	s20 =	sshll.u32 s20, $0xC;
	s16 =	sshll.u32 s14, $0x2;
	[dreg:$0xc] =	wrdreg s22  }
0x17: {  	s18 =	sshll.u32 s19, $0xC;
	s3 =	sadd.s32 s3, s16;
	[dreg:$0xd] =	wrdreg s13  }
0x18: {  	s24 =	sshll.u32 s24, $0xC;
	s19 =	sadd.s32 s28, s18;
	[dreg:$0xf] =	wrdreg s3  }
0x19: {  	s2 =	sshll.u32 s4, $0xC;
	s13 =	simm.s32 $0x0;
	[dreg:$0x16] =	wrdreg s19  }
0x1a: {  	s4 =	sshll.u32 s5, $0xC;
	s1 =	sadd.s32 s28, s2;
	[smem:$0x7FF] =	sst s13  }
0x1b: {  	s15 =	sshll.u32 s6, $0xC;
	s5 =	sadd.s32 s28, s4;
	[dreg:$0x12] =	wrdreg s1  }
0x1c: {  	s22 =	sshll.u32 s23, $0xC;
	[dreg:$0x13] =	wrdreg s5;
	s1 =	sadd.s32 s28, s15  }
0x1d: {  	s16 =	sshll.u32 s7, $0xC;
	s23 =	sadd.s32 s28, s22;
	[dreg:$0x14] =	wrdreg s1  }
0x1e: {  	s21 =	sshll.u32 s10, $0xC;
	s1 =	sadd.s32 s28, s16;
	[dreg:$0x19] =	wrdreg s23  }
0x1f: {  	s26 =	sshll.u32 s14, $0xC;
	[dreg:$0x15] =	wrdreg s1;
	s1 =	sadd.s32 s28, s20  }
.Ltmp0:
0x20: {  	[dreg:$0x17] =	wrdreg s1;
	s1 =	sadd.s32 s28, s21;
	(pc) =	sbr.rel .LBB2_1-.Ltmp0, $4  }
0x21: {  	s30 =	sadd.s32 $0x100, s25;
	[dreg:$0x18] =	wrdreg s1;
	s1 =	sadd.s32 s28, s24  }
0x22: {  	v2 =	vlaneseq.u32;
	s31 =	sadd.s32 $0x200, s25;
	s28 =	sadd.s32 s28, s26;
	[dreg:$0x1a] =	wrdreg s1  }
0x23: {  	vm0 =	vmmov $0xffff;
	v1 =	vshrl.u32 v2, $0x3;
	s22 =	sadd.s32 $0x300, s25;
	s26 =	simm.s32 $0x2;
	[dreg:$0x1b] =	wrdreg s28  }
0x24: {  	v0 =	vand.u32 $0x7, v2;
	v2 =	vor.u32 $0x8, v2;
	v1 =	vmul.u32 $0x8, v1;
	s1 =	smax.u32 s0, $0x1;
	s0 =	simm.s32 $0x3;
	_ =	strace $0x80000047  }
.LBB2_3:
0x25: {  	_ =	swait.ge [sflag:s20], $0x8000  }
0x26: {  	[sflag:s20] =	ssyncset.done $0x0  }
0x27: {  	[sflag:s20] =	ssyncadd.s32 $0xFFFF8000  }
0x28: {  	[hbm4b:s21+s13] =	stream.linear.scatter [tilespmem:s19], [sflag:$0x3], $0x8000, $0x38;
	[tilespmem:$0x10180] =	vst v63  }
0x29: {  	_ =	swait.ge [sflag:s0], $0x8000  }
0x2a: {  	s1 =	rddreg [dreg:$0x1c]  }
0x2b: {  	s1 =	sadd.s32 $0xFFFFFFFF, s1  }
0x2c: {  	p1 =	sne.s32 s1, $0x0  }
.Ltmp1:
0x2d: {  	_ = 	snop;
	(pc) =	sbr.rel @!p1 .LBB2_4-.Ltmp1, $3  }
0x2e: {  	_ =	sdelay $0x1  }
0x2f: {  	[sflag:s0] =	ssyncset.done $0x0  }
0x30: {  	[sflag:s0] =	ssyncadd.s32 $0xFFFF8000  }
.LBB2_1:
0x31: {  	[dreg:$0x1c] =	wrdreg s1  }
0x32: {  	s19 =	rddreg [dreg:$0x4]  }
0x33: {  	[tilespmem:s13], [sflag:$0x3] =	stream.linear.gather [hbm4b:s19+s13], $0x20, $0x38;
	[tilespmem:$0x10180] =	vst v63  }
0x34: {  	_ =	swait.ge [sflag:s0], $0x20  }
0x35: {  	[sflag:s0] =	ssyncset.done $0x0  }
0x36: {  	[sflag:s0] =	ssyncadd.s32 $0xFFFFFFE0  }
0x37: {  	v3 =	vld [tilespmem:$0x0];
	_ =	sdelay $0x4  }
0x38: {  	v4 =	vshll.u32 v3, $0x3  }
0x39: {  	v3 =	vand.u32 $0x7, v3;
	v4 =	vand.u32 $0xFFFFFFC0, v4  }
0x3a: {  	v3 =	vor.u32 v3, v4  }
0x3b: {  	v4 =	vperm.xlane v3, v0;
	_ =	sdelay $0x1  }
0x3c: {  	v4 =	vadd.s32 v1, v4;
	_ =	sdelay $0x4  }
0x3d: {  	[tilespmem:s29], [sflag:$0x1] =	stream.indirect_vreg.gather [hbm4b:s25+s13], $0x80, v4, vm0, $0xb8;
	[tilespmem:$0x10180] =	vst v63  }
0x3e: {  	s4 =	simm.s32 $0x980;
	v3 =	vperm.xlane v3, v2  }
0x3f: {  	[tilespmem:s4], [sflag:$0x1] =	stream.indirect_vreg.gather [hbm4b:s30+s13], $0x80, v4, vm0, $0xb8;
	[tilespmem:$0x10180] =	vst v63  }
0x40: {  	s5 =	simm.s32 $0x1180;
	v3 =	vadd.s32 v1, v3  }
0x41: {  	[tilespmem:s5], [sflag:$0x1] =	stream.indirect_vreg.gather [hbm4b:s31+s13], $0x80, v4, vm0, $0xb8;
	[tilespmem:$0x10180] =	vst v63  }
0x42: {  	s6 =	simm.s32 $0x1980  }
0x43: {  	[tilespmem:s6], [sflag:$0x1] =	stream.indirect_vreg.gather [hbm4b:s22+s13], $0x80, v4, vm0, $0xb8;
	[tilespmem:$0x10180] =	vst v63  }
0x44: {  	s7 =	simm.s32 $0x2180  }
0x45: {  	[tilespmem:s7], [sflag:$0x1] =	stream.indirect_vreg.gather [hbm4b:s25+s13], $0x80, v3, vm0, $0xb8;
	[tilespmem:$0x10180] =	vst v63  }
0x46: {  	s8 =	simm.s32 $0x2980  }
0x47: {  	[tilespmem:s8], [sflag:$0x1] =	stream.indirect_vreg.gather [hbm4b:s30+s13], $0x80, v3, vm0, $0xb8;
	[tilespmem:$0x10180] =	vst v63  }
0x48: {  	s9 =	simm.s32 $0x3180  }
0x49: {  	[tilespmem:s9], [sflag:$0x1] =	stream.indirect_vreg.gather [hbm4b:s31+s13], $0x80, v3, vm0, $0xb8;
	[tilespmem:$0x10180] =	vst v63  }
0x4a: {  	s10 =	simm.s32 $0x3980  }
0x4b: {  	[tilespmem:s10], [sflag:$0x1] =	stream.indirect_vreg.gather [hbm4b:s22+s13], $0x80, v3, vm0, $0xb8;
	[tilespmem:$0x10180] =	vst v63  }
0x4c: {  	v3 =	vld [tilespmem:$0x10];
	_ =	sdelay $0x4  }
0x4d: {  	v43 =	vshll.u32 v3, $0x3  }
0x4e: {  	v3 =	vand.u32 $0x7, v3;
	v4 =	vand.u32 $0xFFFFFFC0, v43  }
0x4f: {  	v3 =	vor.u32 v3, v4  }
0x50: {  	v4 =	vperm.xlane v3, v0;
	_ =	sdelay $0x1  }
0x51: {  	v4 =	vadd.s32 v1, v4;
	_ =	sdelay $0x3  }
0x52: {  	s11 =	simm.s32 $0x4180  }
0x53: {  	[tilespmem:s11], [sflag:$0x1] =	stream.indirect_vreg.gather [hbm4b:s25+s13], $0x80, v4, vm0, $0xb8;
	[tilespmem:$0x10180] =	vst v63  }
0x54: {  	s12 =	simm.s32 $0x4980;
	v3 =	vperm.xlane v3, v2  }
0x55: {  	[tilespmem:s12], [sflag:$0x1] =	stream.indirect_vreg.gather [hbm4b:s30+s13], $0x80, v4, vm0, $0xb8;
	[tilespmem:$0x10180] =	vst v63  }
0x56: {  	s14 =	simm.s32 $0x5180;
	v3 =	vadd.s32 v1, v3  }
0x57: {  	[tilespmem:s14], [sflag:$0x1] =	stream.indirect_vreg.gather [hbm4b:s31+s13], $0x80, v4, vm0, $0xb8;
	[tilespmem:$0x10180] =	vst v63  }
0x58: {  	s15 =	simm.s32 $0x5980  }
0x59: {  	[tilespmem:s15], [sflag:$0x1] =	stream.indirect_vreg.gather [hbm4b:s22+s13], $0x80, v4, vm0, $0xb8;
	[tilespmem:$0x10180] =	vst v63  }
0x5a: {  	s16 =	simm.s32 $0x6180  }
0x5b: {  	[tilespmem:s16], [sflag:$0x1] =	stream.indirect_vreg.gather [hbm4b:s25+s13], $0x80, v3, vm0, $0xb8;
	[tilespmem:$0x10180] =	vst v63  }
0x5c: {  	s18 =	simm.s32 $0x6980  }
0x5d: {  	[tilespmem:s18], [sflag:$0x1] =	stream.indirect_vreg.gather [hbm4b:s30+s13], $0x80, v3, vm0, $0xb8;
	[tilespmem:$0x10180] =	vst v63  }
0x5e: {  	s19 =	simm.s32 $0x7180  }
0x5f: {  	[tilespmem:s19], [sflag:$0x1] =	stream.indirect_vreg.gather [hbm4b:s31+s13], $0x80, v3, vm0, $0xb8;
	[tilespmem:$0x10180] =	vst v63  }
0x60: {  	s20 =	simm.s32 $0x7980  }
0x61: {  	[tilespmem:s20], [sflag:$0x1] =	stream.indirect_vreg.gather [hbm4b:s22+s13], $0x80, v3, vm0, $0xb8;
	[tilespmem:$0x10180] =	vst v63  }
0x62: {  	s21 =	rddreg [dreg:$0x5];
	s20 =	simm.s32 $0x20  }
0x63: {  	[tilespmem:s20], [sflag:$0x3] =	stream.linear.gather [hbm4b:s21+s13], $0x20, $0x38;
	[tilespmem:$0x10180] =	vst v63  }
0x64: {  	_ =	swait.ge [sflag:s0], $0x20  }
0x65: {  	[sflag:s0] =	ssyncset.done $0x0  }
0x66: {  	[sflag:s0] =	ssyncadd.s32 $0xFFFFFFE0  }
0x67: {  	v3 =	vld [tilespmem:$0x20];
	_ =	sdelay $0x4  }
0x68: {  	v44 =	vshll.u32 v3, $0x3  }
0x69: {  	v3 =	vand.u32 $0x7, v3;
	v4 =	vand.u32 $0xFFFFFFC0, v44  }
0x6a: {  	v3 =	vor.u32 v3, v4  }
0x6b: {  	v4 =	vperm.xlane v3, v0;
	_ =	sdelay $0x1  }
0x6c: {  	v4 =	vadd.s32 v1, v4;
	_ =	sdelay $0x3  }
0x6d: {  	s20 =	simm.s32 $0x8180  }
0x6e: {  	[tilespmem:s20], [sflag:$0x2] =	stream.indirect_vreg.gather [hbm4b:s25+s13], $0x80, v4, vm0, $0xb8;
	[tilespmem:$0x10180] =	vst v63  }
0x6f: {  	s23 =	simm.s32 $0x8980;
	v3 =	vperm.xlane v3, v2  }
0x70: {  	[tilespmem:s23], [sflag:$0x2] =	stream.indirect_vreg.gather [hbm4b:s30+s13], $0x80, v4, vm0, $0xb8;
	[tilespmem:$0x10180] =	vst v63  }
0x71: {  	s24 =	simm.s32 $0x9180;
	v3 =	vadd.s32 v1, v3  }
0x72: {  	[tilespmem:s24], [sflag:$0x2] =	stream.indirect_vreg.gather [hbm4b:s31+s13], $0x80, v4, vm0, $0xb8;
	[tilespmem:$0x10180] =	vst v63  }
0x73: {  	s3 =	simm.s32 $0x9980  }
0x74: {  	[tilespmem:s3], [sflag:$0x2] =	stream.indirect_vreg.gather [hbm4b:s22+s13], $0x80, v4, vm0, $0xb8;
	[tilespmem:$0x10180] =	vst v63  }
0x75: {  	s4 =	simm.s32 $0xA180  }
0x76: {  	[tilespmem:s4], [sflag:$0x2] =	stream.indirect_vreg.gather [hbm4b:s25+s13], $0x80, v3, vm0, $0xb8;
	[tilespmem:$0x10180] =	vst v63  }
0x77: {  	s5 =	simm.s32 $0xA980  }
0x78: {  	[tilespmem:s5], [sflag:$0x2] =	stream.indirect_vreg.gather [hbm4b:s30+s13], $0x80, v3, vm0, $0xb8;
	[tilespmem:$0x10180] =	vst v63  }
0x79: {  	s9 =	simm.s32 $0xB180  }
0x7a: {  	[tilespmem:s9], [sflag:$0x2] =	stream.indirect_vreg.gather [hbm4b:s31+s13], $0x80, v3, vm0, $0xb8;
	[tilespmem:$0x10180] =	vst v63  }
0x7b: {  	s10 =	simm.s32 $0xB980  }
0x7c: {  	[tilespmem:s10], [sflag:$0x2] =	stream.indirect_vreg.gather [hbm4b:s22+s13], $0x80, v3, vm0, $0xb8;
	[tilespmem:$0x10180] =	vst v63  }
0x7d: {  	v3 =	vld [tilespmem:$0x30];
	_ =	sdelay $0x4  }
0x7e: {  	v45 =	vshll.u32 v3, $0x3  }
0x7f: {  	v3 =	vand.u32 $0x7, v3;
	v4 =	vand.u32 $0xFFFFFFC0, v45  }
0x80: {  	v3 =	vor.u32 v3, v4  }
0x81: {  	v4 =	vperm.xlane v3, v0;
	_ =	sdelay $0x1  }
0x82: {  	v4 =	vadd.s32 v1, v4;
	_ =	sdelay $0x3  }
0x83: {  	s11 =	simm.s32 $0xC180  }
0x84: {  	[tilespmem:s11], [sflag:$0x2] =	stream.indirect_vreg.gather [hbm4b:s25+s13], $0x80, v4, vm0, $0xb8;
	[tilespmem:$0x10180] =	vst v63  }
0x85: {  	s14 =	simm.s32 $0xC980;
	v3 =	vperm.xlane v3, v2  }
0x86: {  	[tilespmem:s14], [sflag:$0x2] =	stream.indirect_vreg.gather [hbm4b:s30+s13], $0x80, v4, vm0, $0xb8;
	[tilespmem:$0x10180] =	vst v63  }
0x87: {  	s19 =	simm.s32 $0xD180;
	v3 =	vadd.s32 v1, v3  }
0x88: {  	[tilespmem:s19], [sflag:$0x2] =	stream.indirect_vreg.gather [hbm4b:s31+s13], $0x80, v4, vm0, $0xb8;
	[tilespmem:$0x10180] =	vst v63  }
0x89: {  	s21 =	simm.s32 $0xD980  }
0x8a: {  	[tilespmem:s21], [sflag:$0x2] =	stream.indirect_vreg.gather [hbm4b:s22+s13], $0x80, v4, vm0, $0xb8;
	[tilespmem:$0x10180] =	vst v63  }
0x8b: {  	s3 =	simm.s32 $0xE180  }
0x8c: {  	[tilespmem:s3], [sflag:$0x2] =	stream.indirect_vreg.gather [hbm4b:s25+s13], $0x80, v3, vm0, $0xb8;
	[tilespmem:$0x10180] =	vst v63  }
0x8d: {  	s4 =	simm.s32 $0xE980  }
0x8e: {  	[tilespmem:s4], [sflag:$0x2] =	stream.indirect_vreg.gather [hbm4b:s30+s13], $0x80, v3, vm0, $0xb8;
	[tilespmem:$0x10180] =	vst v63  }
0x8f: {  	s5 =	simm.s32 $0xF180  }
0x90: {  	[tilespmem:s5], [sflag:$0x2] =	stream.indirect_vreg.gather [hbm4b:s31+s13], $0x80, v3, vm0, $0xb8;
	[tilespmem:$0x10180] =	vst v63  }
0x91: {  	s9 =	simm.s32 $0xF980  }
0x92: {  	[tilespmem:s9], [sflag:$0x2] =	stream.indirect_vreg.gather [hbm4b:s22+s13], $0x80, v3, vm0, $0xb8;
	[tilespmem:$0x10180] =	vst v63  }
0x93: {  	_ =	swait.ge [sflag:s17], $0x8000  }
0x94: {  	[sflag:s17] =	ssyncset.done $0x0  }
0x95: {  	s10 =	rddreg [dreg:$0x10];
	[sflag:s17] =	ssyncadd.s32 $0xFFFF8000  }
0x96: {  	[hbm4b:s10+s13] =	stream.linear.scatter [tilespmem:s29], [sflag:$0x3], $0x8000, $0x38;
	[tilespmem:$0x10180] =	vst v63  }
0x97: {  	_ =	swait.ge [sflag:s0], $0x8000  }
0x98: {  	[sflag:s0] =	ssyncset.done $0x0  }
0x99: {  	s14 =	simm.s32 $0x40;
	s11 =	rddreg [dreg:$0x6];
	[sflag:s0] =	ssyncadd.s32 $0xFFFF8000  }
0x9a: {  	[tilespmem:s14], [sflag:$0x3] =	stream.linear.gather [hbm4b:s11+s13], $0x20, $0x38;
	[tilespmem:$0x10180] =	vst v63  }
0x9b: {  	_ =	swait.ge [sflag:s0], $0x20  }
0x9c: {  	[sflag:s0] =	ssyncset.done $0x0  }
0x9d: {  	[sflag:s0] =	ssyncadd.s32 $0xFFFFFFE0  }
0x9e: {  	v3 =	vld [tilespmem:$0x40];
	_ =	sdelay $0x4  }
0x9f: {  	v46 =	vshll.u32 v3, $0x3  }
0xa0: {  	v3 =	vand.u32 $0x7, v3;
	v4 =	vand.u32 $0xFFFFFFC0, v46  }
0xa1: {  	v3 =	vor.u32 v3, v4  }
0xa2: {  	v4 =	vperm.xlane v3, v0;
	_ =	sdelay $0x1  }
0xa3: {  	v4 =	vadd.s32 v1, v4;
	_ =	sdelay $0x4  }
0xa4: {  	[tilespmem:s29], [sflag:$0x1] =	stream.indirect_vreg.gather [hbm4b:s25+s13], $0x80, v4, vm0, $0xb8;
	[tilespmem:$0x10180] =	vst v63  }
0xa5: {  	s2 =	simm.s32 $0x980;
	v3 =	vperm.xlane v3, v2  }
0xa6: {  	[tilespmem:s2], [sflag:$0x1] =	stream.indirect_vreg.gather [hbm4b:s30+s13], $0x80, v4, vm0, $0xb8;
	[tilespmem:$0x10180] =	vst v63  }
0xa7: {  	s1 =	simm.s32 $0x1180;
	v3 =	vadd.s32 v1, v3  }
0xa8: {  	[tilespmem:s1], [sflag:$0x1] =	stream.indirect_vreg.gather [hbm4b:s31+s13], $0x80, v4, vm0, $0xb8;
	[tilespmem:$0x10180] =	vst v63  }
0xa9: {  	s2 =	simm.s32 $0x1980  }
0xaa: {  	[tilespmem:s2], [sflag:$0x1] =	stream.indirect_vreg.gather [hbm4b:s22+s13], $0x80, v4, vm0, $0xb8;
	[tilespmem:$0x10180] =	vst v63  }
0xab: {  	s3 =	simm.s32 $0x2180  }
0xac: {  	[tilespmem:s3], [sflag:$0x1] =	stream.indirect_vreg.gather [hbm4b:s25+s13], $0x80, v3, vm0, $0xb8;
	[tilespmem:$0x10180] =	vst v63  }
0xad: {  	s4 =	simm.s32 $0x2980  }
0xae: {  	[tilespmem:s4], [sflag:$0x1] =	stream.indirect_vreg.gather [hbm4b:s30+s13], $0x80, v3, vm0, $0xb8;
	[tilespmem:$0x10180] =	vst v63  }
0xaf: {  	s5 =	simm.s32 $0x3180  }
0xb0: {  	[tilespmem:s5], [sflag:$0x1] =	stream.indirect_vreg.gather [hbm4b:s31+s13], $0x80, v3, vm0, $0xb8;
	[tilespmem:$0x10180] =	vst v63  }
0xb1: {  	s6 =	simm.s32 $0x3980  }
0xb2: {  	[tilespmem:s6], [sflag:$0x1] =	stream.indirect_vreg.gather [hbm4b:s22+s13], $0x80, v3, vm0, $0xb8;
	[tilespmem:$0x10180] =	vst v63  }
0xb3: {  	v3 =	vld [tilespmem:$0x50];
	_ =	sdelay $0x4  }
0xb4: {  	v47 =	vshll.u32 v3, $0x3  }
0xb5: {  	v3 =	vand.u32 $0x7, v3;
	v4 =	vand.u32 $0xFFFFFFC0, v47  }
0xb6: {  	v3 =	vor.u32 v3, v4  }
0xb7: {  	v4 =	vperm.xlane v3, v0;
	_ =	sdelay $0x1  }
0xb8: {  	v4 =	vadd.s32 v1, v4;
	_ =	sdelay $0x3  }
0xb9: {  	s7 =	simm.s32 $0x4180  }
0xba: {  	[tilespmem:s7], [sflag:$0x1] =	stream.indirect_vreg.gather [hbm4b:s25+s13], $0x80, v4, vm0, $0xb8;
	[tilespmem:$0x10180] =	vst v63  }
0xbb: {  	s8 =	simm.s32 $0x4980;
	v3 =	vperm.xlane v3, v2  }
0xbc: {  	[tilespmem:s8], [sflag:$0x1] =	stream.indirect_vreg.gather [hbm4b:s30+s13], $0x80, v4, vm0, $0xb8;
	[tilespmem:$0x10180] =	vst v63  }
0xbd: {  	s6 =	simm.s32 $0x5180;
	v3 =	vadd.s32 v1, v3  }
0xbe: {  	[tilespmem:s6], [sflag:$0x1] =	stream.indirect_vreg.gather [hbm4b:s31+s13], $0x80, v4, vm0, $0xb8;
	[tilespmem:$0x10180] =	vst v63  }
0xbf: {  	s7 =	simm.s32 $0x5980  }
0xc0: {  	[tilespmem:s7], [sflag:$0x1] =	stream.indirect_vreg.gather [hbm4b:s22+s13], $0x80, v4, vm0, $0xb8;
	[tilespmem:$0x10180] =	vst v63  }
0xc1: {  	s8 =	simm.s32 $0x6180  }
0xc2: {  	[tilespmem:s8], [sflag:$0x1] =	stream.indirect_vreg.gather [hbm4b:s25+s13], $0x80, v3, vm0, $0xb8;
	[tilespmem:$0x10180] =	vst v63  }
0xc3: {  	s9 =	simm.s32 $0x6980  }
0xc4: {  	[tilespmem:s9], [sflag:$0x1] =	stream.indirect_vreg.gather [hbm4b:s30+s13], $0x80, v3, vm0, $0xb8;
	[tilespmem:$0x10180] =	vst v63  }
0xc5: {  	s10 =	simm.s32 $0x7180  }
0xc6: {  	[tilespmem:s10], [sflag:$0x1] =	stream.indirect_vreg.gather [hbm4b:s31+s13], $0x80, v3, vm0, $0xb8;
	[tilespmem:$0x10180] =	vst v63  }
0xc7: {  	s11 =	simm.s32 $0x7980  }
0xc8: {  	[tilespmem:s11], [sflag:$0x1] =	stream.indirect_vreg.gather [hbm4b:s22+s13], $0x80, v3, vm0, $0xb8;
	[tilespmem:$0x10180] =	vst v63  }
0xc9: {  	_ =	swait.ge [sflag:s26], $0x8000  }
0xca: {  	[sflag:s26] =	ssyncset.done $0x0  }
0xcb: {  	s14 =	rddreg [dreg:$0x11];
	[sflag:s26] =	ssyncadd.s32 $0xFFFF8000  }
0xcc: {  	[hbm4b:s14+s13] =	stream.linear.scatter [tilespmem:s20], [sflag:$0x3], $0x8000, $0x38;
	[tilespmem:$0x10180] =	vst v63  }
0xcd: {  	_ =	swait.ge [sflag:s0], $0x8000  }
0xce: {  	[sflag:s0] =	ssyncset.done $0x0  }
0xcf: {  	s14 =	simm.s32 $0x60;
	s19 =	rddreg [dreg:$0x7];
	[sflag:s0] =	ssyncadd.s32 $0xFFFF8000  }
0xd0: {  	[tilespmem:s14], [sflag:$0x3] =	stream.linear.gather [hbm4b:s19+s13], $0x20, $0x38;
	[tilespmem:$0x10180] =	vst v63  }
0xd1: {  	_ =	swait.ge [sflag:s0], $0x20  }
0xd2: {  	[sflag:s0] =	ssyncset.done $0x0  }
0xd3: {  	[sflag:s0] =	ssyncadd.s32 $0xFFFFFFE0  }
0xd4: {  	v3 =	vld [tilespmem:$0x60];
	_ =	sdelay $0x4  }
0xd5: {  	v48 =	vshll.u32 v3, $0x3  }
0xd6: {  	v3 =	vand.u32 $0x7, v3;
	v4 =	vand.u32 $0xFFFFFFC0, v48  }
0xd7: {  	v3 =	vor.u32 v3, v4  }
0xd8: {  	v4 =	vperm.xlane v3, v0;
	_ =	sdelay $0x1  }
0xd9: {  	v4 =	vadd.s32 v1, v4;
	_ =	sdelay $0x4  }
0xda: {  	[tilespmem:s20], [sflag:$0x2] =	stream.indirect_vreg.gather [hbm4b:s25+s13], $0x80, v4, vm0, $0xb8;
	[tilespmem:$0x10180] =	vst v63  }
0xdb: {  	s28 =	simm.s32 $0x8980;
	v3 =	vperm.xlane v3, v2  }
0xdc: {  	[tilespmem:s28], [sflag:$0x2] =	stream.indirect_vreg.gather [hbm4b:s30+s13], $0x80, v4, vm0, $0xb8;
	[tilespmem:$0x10180] =	vst v63  }
0xdd: {  	s24 =	simm.s32 $0x9180;
	v3 =	vadd.s32 v1, v3  }
0xde: {  	[tilespmem:s24], [sflag:$0x2] =	stream.indirect_vreg.gather [hbm4b:s31+s13], $0x80, v4, vm0, $0xb8;
	[tilespmem:$0x10180] =	vst v63  }
0xdf: {  	s12 =	simm.s32 $0x9980  }
0xe0: {  	[tilespmem:s12], [sflag:$0x2] =	stream.indirect_vreg.gather [hbm4b:s22+s13], $0x80, v4, vm0, $0xb8;
	[tilespmem:$0x10180] =	vst v63  }
0xe1: {  	s23 =	simm.s32 $0xA180  }
0xe2: {  	[tilespmem:s23], [sflag:$0x2] =	stream.indirect_vreg.gather [hbm4b:s25+s13], $0x80, v3, vm0, $0xb8;
	[tilespmem:$0x10180] =	vst v63  }
0xe3: {  	s15 =	simm.s32 $0xA980  }
0xe4: {  	[tilespmem:s15], [sflag:$0x2] =	stream.indirect_vreg.gather [hbm4b:s30+s13], $0x80, v3, vm0, $0xb8;
	[tilespmem:$0x10180] =	vst v63  }
0xe5: {  	s16 =	simm.s32 $0xB180  }
0xe6: {  	[tilespmem:s16], [sflag:$0x2] =	stream.indirect_vreg.gather [hbm4b:s31+s13], $0x80, v3, vm0, $0xb8;
	[tilespmem:$0x10180] =	vst v63  }
0xe7: {  	s18 =	simm.s32 $0xB980  }
0xe8: {  	[tilespmem:s18], [sflag:$0x2] =	stream.indirect_vreg.gather [hbm4b:s22+s13], $0x80, v3, vm0, $0xb8;
	[tilespmem:$0x10180] =	vst v63  }
0xe9: {  	v3 =	vld [tilespmem:$0x70];
	_ =	sdelay $0x4  }
0xea: {  	v49 =	vshll.u32 v3, $0x3  }
0xeb: {  	v3 =	vand.u32 $0x7, v3;
	v4 =	vand.u32 $0xFFFFFFC0, v49  }
0xec: {  	v3 =	vor.u32 v3, v4  }
0xed: {  	v4 =	vperm.xlane v3, v0;
	_ =	sdelay $0x1  }
0xee: {  	v4 =	vadd.s32 v1, v4;
	_ =	sdelay $0x3  }
0xef: {  	s28 =	simm.s32 $0xC180  }
0xf0: {  	[tilespmem:s28], [sflag:$0x2] =	stream.indirect_vreg.gather [hbm4b:s25+s13], $0x80, v4, vm0, $0xb8;
	[tilespmem:$0x10180] =	vst v63  }
0xf1: {  	s18 =	simm.s32 $0xC980;
	v3 =	vperm.xlane v3, v2  }
0xf2: {  	[tilespmem:s18], [sflag:$0x2] =	stream.indirect_vreg.gather [hbm4b:s30+s13], $0x80, v4, vm0, $0xb8;
	[tilespmem:$0x10180] =	vst v63  }
0xf3: {  	s12 =	simm.s32 $0xD180;
	v3 =	vadd.s32 v1, v3  }
0xf4: {  	[tilespmem:s12], [sflag:$0x2] =	stream.indirect_vreg.gather [hbm4b:s31+s13], $0x80, v4, vm0, $0xb8;
	[tilespmem:$0x10180] =	vst v63  }
0xf5: {  	s15 =	simm.s32 $0xD980  }
0xf6: {  	[tilespmem:s15], [sflag:$0x2] =	stream.indirect_vreg.gather [hbm4b:s22+s13], $0x80, v4, vm0, $0xb8;
	[tilespmem:$0x10180] =	vst v63  }
0xf7: {  	s16 =	simm.s32 $0xE180  }
0xf8: {  	[tilespmem:s16], [sflag:$0x2] =	stream.indirect_vreg.gather [hbm4b:s25+s13], $0x80, v3, vm0, $0xb8;
	[tilespmem:$0x10180] =	vst v63  }
0xf9: {  	s23 =	simm.s32 $0xE980  }
0xfa: {  	[tilespmem:s23], [sflag:$0x2] =	stream.indirect_vreg.gather [hbm4b:s30+s13], $0x80, v3, vm0, $0xb8;
	[tilespmem:$0x10180] =	vst v63  }
0xfb: {  	s24 =	simm.s32 $0xF180  }
0xfc: {  	[tilespmem:s24], [sflag:$0x2] =	stream.indirect_vreg.gather [hbm4b:s31+s13], $0x80, v3, vm0, $0xb8;
	[tilespmem:$0x10180] =	vst v63  }
0xfd: {  	s19 =	simm.s32 $0xF980  }
0xfe: {  	[tilespmem:s19], [sflag:$0x2] =	stream.indirect_vreg.gather [hbm4b:s22+s13], $0x80, v3, vm0, $0xb8;
	[tilespmem:$0x10180] =	vst v63  }
0xff: {  	_ =	swait.ge [sflag:s17], $0x8000  }
0x100: {  	[sflag:s17] =	ssyncset.done $0x0  }
0x101: {  	s14 =	rddreg [dreg:$0x12];
	[sflag:s17] =	ssyncadd.s32 $0xFFFF8000  }
0x102: {  	[hbm4b:s14+s13] =	stream.linear.scatter [tilespmem:s29], [sflag:$0x3], $0x8000, $0x38;
	[tilespmem:$0x10180] =	vst v63  }
0x103: {  	_ =	swait.ge [sflag:s0], $0x8000  }
0x104: {  	[sflag:s0] =	ssyncset.done $0x0  }
0x105: {  	s14 =	simm.s32 $0x80;
	s19 =	rddreg [dreg:$0x8];
	[sflag:s0] =	ssyncadd.s32 $0xFFFF8000  }
0x106: {  	[tilespmem:s14], [sflag:$0x3] =	stream.linear.gather [hbm4b:s19+s13], $0x20, $0x38;
	[tilespmem:$0x10180] =	vst v63  }
0x107: {  	_ =	swait.ge [sflag:s0], $0x20  }
0x108: {  	[sflag:s0] =	ssyncset.done $0x0  }
0x109: {  	[sflag:s0] =	ssyncadd.s32 $0xFFFFFFE0  }
0x10a: {  	v3 =	vld [tilespmem:$0x80];
	_ =	sdelay $0x4  }
0x10b: {  	v50 =	vshll.u32 v3, $0x3  }
0x10c: {  	v3 =	vand.u32 $0x7, v3;
	v4 =	vand.u32 $0xFFFFFFC0, v50  }
0x10d: {  	v3 =	vor.u32 v3, v4  }
0x10e: {  	v4 =	vperm.xlane v3, v0;
	_ =	sdelay $0x1  }
0x10f: {  	v4 =	vadd.s32 v1, v4;
	_ =	sdelay $0x4  }
0x110: {  	[tilespmem:s29], [sflag:$0x1] =	stream.indirect_vreg.gather [hbm4b:s25+s13], $0x80, v4, vm0, $0xb8;
	[tilespmem:$0x10180] =	vst v63  }
0x111: {  	s19 =	simm.s32 $0x980;
	v3 =	vperm.xlane v3, v2  }
0x112: {  	[tilespmem:s19], [sflag:$0x1] =	stream.indirect_vreg.gather [hbm4b:s30+s13], $0x80, v4, vm0, $0xb8;
	[tilespmem:$0x10180] =	vst v63  }
0x113: {  	v3 =	vadd.s32 v1, v3  }
0x114: {  	[tilespmem:s1], [sflag:$0x1] =	stream.indirect_vreg.gather [hbm4b:s31+s13], $0x80, v4, vm0, $0xb8;
	[tilespmem:$0x10180] =	vst v63  }
0x115: {  	_ = 	snop  }
0x116: {  	[tilespmem:s2], [sflag:$0x1] =	stream.indirect_vreg.gather [hbm4b:s22+s13], $0x80, v4, vm0, $0xb8;
	[tilespmem:$0x10180] =	vst v63  }
0x117: {  	_ = 	snop  }
0x118: {  	[tilespmem:s3], [sflag:$0x1] =	stream.indirect_vreg.gather [hbm4b:s25+s13], $0x80, v3, vm0, $0xb8;
	[tilespmem:$0x10180] =	vst v63  }
0x119: {  	_ = 	snop  }
0x11a: {  	[tilespmem:s4], [sflag:$0x1] =	stream.indirect_vreg.gather [hbm4b:s30+s13], $0x80, v3, vm0, $0xb8;
	[tilespmem:$0x10180] =	vst v63  }
0x11b: {  	_ = 	snop  }
0x11c: {  	[tilespmem:s5], [sflag:$0x1] =	stream.indirect_vreg.gather [hbm4b:s31+s13], $0x80, v3, vm0, $0xb8;
	[tilespmem:$0x10180] =	vst v63  }
0x11d: {  	s21 =	simm.s32 $0x3980  }
0x11e: {  	[tilespmem:s21], [sflag:$0x1] =	stream.indirect_vreg.gather [hbm4b:s22+s13], $0x80, v3, vm0, $0xb8;
	[tilespmem:$0x10180] =	vst v63  }
0x11f: {  	v3 =	vld [tilespmem:$0x90];
	_ =	sdelay $0x4  }
0x120: {  	v51 =	vshll.u32 v3, $0x3  }
0x121: {  	v3 =	vand.u32 $0x7, v3;
	v4 =	vand.u32 $0xFFFFFFC0, v51  }
0x122: {  	v3 =	vor.u32 v3, v4  }
0x123: {  	v4 =	vperm.xlane v3, v0;
	_ =	sdelay $0x1  }
0x124: {  	v4 =	vadd.s32 v1, v4;
	_ =	sdelay $0x3  }
0x125: {  	s19 =	simm.s32 $0x4180  }
0x126: {  	[tilespmem:s19], [sflag:$0x1] =	stream.indirect_vreg.gather [hbm4b:s25+s13], $0x80, v4, vm0, $0xb8;
	[tilespmem:$0x10180] =	vst v63  }
0x127: {  	v3 =	vperm.xlane v3, v2;
	s19 =	simm.s32 $0x4980  }
0x128: {  	[tilespmem:s19], [sflag:$0x1] =	stream.indirect_vreg.gather [hbm4b:s30+s13], $0x80, v4, vm0, $0xb8;
	[tilespmem:$0x10180] =	vst v63  }
0x129: {  	v3 =	vadd.s32 v1, v3  }
0x12a: {  	[tilespmem:s6], [sflag:$0x1] =	stream.indirect_vreg.gather [hbm4b:s31+s13], $0x80, v4, vm0, $0xb8;
	[tilespmem:$0x10180] =	vst v63  }
0x12b: {  	_ = 	snop  }
0x12c: {  	[tilespmem:s7], [sflag:$0x1] =	stream.indirect_vreg.gather [hbm4b:s22+s13], $0x80, v4, vm0, $0xb8;
	[tilespmem:$0x10180] =	vst v63  }
0x12d: {  	_ = 	snop  }
0x12e: {  	[tilespmem:s8], [sflag:$0x1] =	stream.indirect_vreg.gather [hbm4b:s25+s13], $0x80, v3, vm0, $0xb8;
	[tilespmem:$0x10180] =	vst v63  }
0x12f: {  	_ = 	snop  }
0x130: {  	[tilespmem:s9], [sflag:$0x1] =	stream.indirect_vreg.gather [hbm4b:s30+s13], $0x80, v3, vm0, $0xb8;
	[tilespmem:$0x10180] =	vst v63  }
0x131: {  	_ = 	snop  }
0x132: {  	[tilespmem:s10], [sflag:$0x1] =	stream.indirect_vreg.gather [hbm4b:s31+s13], $0x80, v3, vm0, $0xb8;
	[tilespmem:$0x10180] =	vst v63  }
0x133: {  	_ = 	snop  }
0x134: {  	[tilespmem:s11], [sflag:$0x1] =	stream.indirect_vreg.gather [hbm4b:s22+s13], $0x80, v3, vm0, $0xb8;
	[tilespmem:$0x10180] =	vst v63  }
0x135: {  	_ =	swait.ge [sflag:s26], $0x8000  }
0x136: {  	[sflag:s26] =	ssyncset.done $0x0  }
0x137: {  	s14 =	rddreg [dreg:$0x13];
	[sflag:s26] =	ssyncadd.s32 $0xFFFF8000  }
0x138: {  	[hbm4b:s14+s13] =	stream.linear.scatter [tilespmem:s20], [sflag:$0x3], $0x8000, $0x38;
	[tilespmem:$0x10180] =	vst v63  }
0x139: {  	_ =	swait.ge [sflag:s0], $0x8000  }
0x13a: {  	[sflag:s0] =	ssyncset.done $0x0  }
0x13b: {  	s14 =	simm.s32 $0xA0;
	s19 =	rddreg [dreg:$0x9];
	[sflag:s0] =	ssyncadd.s32 $0xFFFF8000  }
0x13c: {  	[tilespmem:s14], [sflag:$0x3] =	stream.linear.gather [hbm4b:s19+s13], $0x20, $0x38;
	[tilespmem:$0x10180] =	vst v63  }
0x13d: {  	_ =	swait.ge [sflag:s0], $0x20  }
0x13e: {  	[sflag:s0] =	ssyncset.done $0x0  }
0x13f: {  	[sflag:s0] =	ssyncadd.s32 $0xFFFFFFE0  }
0x140: {  	v3 =	vld [tilespmem:$0xA0];
	_ =	sdelay $0x4  }
0x141: {  	v52 =	vshll.u32 v3, $0x3  }
0x142: {  	v3 =	vand.u32 $0x7, v3;
	v4 =	vand.u32 $0xFFFFFFC0, v52  }
0x143: {  	v3 =	vor.u32 v3, v4  }
0x144: {  	v4 =	vperm.xlane v3, v0;
	_ =	sdelay $0x1  }
0x145: {  	v4 =	vadd.s32 v1, v4;
	_ =	sdelay $0x4  }
0x146: {  	[tilespmem:s20], [sflag:$0x2] =	stream.indirect_vreg.gather [hbm4b:s25+s13], $0x80, v4, vm0, $0xb8;
	[tilespmem:$0x10180] =	vst v63  }
0x147: {  	s19 =	simm.s32 $0x8980;
	v3 =	vperm.xlane v3, v2  }
0x148: {  	[tilespmem:s19], [sflag:$0x2] =	stream.indirect_vreg.gather [hbm4b:s30+s13], $0x80, v4, vm0, $0xb8;
	[tilespmem:$0x10180] =	vst v63  }
0x149: {  	v3 =	vadd.s32 v1, v3;
	s19 =	simm.s32 $0x9180  }
0x14a: {  	[tilespmem:s19], [sflag:$0x2] =	stream.indirect_vreg.gather [hbm4b:s31+s13], $0x80, v4, vm0, $0xb8;
	[tilespmem:$0x10180] =	vst v63  }
0x14b: {  	s19 =	simm.s32 $0x9980  }
0x14c: {  	[tilespmem:s19], [sflag:$0x2] =	stream.indirect_vreg.gather [hbm4b:s22+s13], $0x80, v4, vm0, $0xb8;
	[tilespmem:$0x10180] =	vst v63  }
0x14d: {  	s19 =	simm.s32 $0xA180  }
0x14e: {  	[tilespmem:s19], [sflag:$0x2] =	stream.indirect_vreg.gather [hbm4b:s25+s13], $0x80, v3, vm0, $0xb8;
	[tilespmem:$0x10180] =	vst v63  }
0x14f: {  	s19 =	simm.s32 $0xA980  }
0x150: {  	[tilespmem:s19], [sflag:$0x2] =	stream.indirect_vreg.gather [hbm4b:s30+s13], $0x80, v3, vm0, $0xb8;
	[tilespmem:$0x10180] =	vst v63  }
0x151: {  	s19 =	simm.s32 $0xB180  }
0x152: {  	[tilespmem:s19], [sflag:$0x2] =	stream.indirect_vreg.gather [hbm4b:s31+s13], $0x80, v3, vm0, $0xb8;
	[tilespmem:$0x10180] =	vst v63  }
0x153: {  	s19 =	simm.s32 $0xB980  }
0x154: {  	[tilespmem:s19], [sflag:$0x2] =	stream.indirect_vreg.gather [hbm4b:s22+s13], $0x80, v3, vm0, $0xb8;
	[tilespmem:$0x10180] =	vst v63  }
0x155: {  	v3 =	vld [tilespmem:$0xB0];
	_ =	sdelay $0x4  }
0x156: {  	v53 =	vshll.u32 v3, $0x3  }
0x157: {  	v3 =	vand.u32 $0x7, v3;
	v4 =	vand.u32 $0xFFFFFFC0, v53  }
0x158: {  	v3 =	vor.u32 v3, v4  }
0x159: {  	v4 =	vperm.xlane v3, v0;
	_ =	sdelay $0x1  }
0x15a: {  	v4 =	vadd.s32 v1, v4;
	_ =	sdelay $0x4  }
0x15b: {  	[tilespmem:s28], [sflag:$0x2] =	stream.indirect_vreg.gather [hbm4b:s25+s13], $0x80, v4, vm0, $0xb8;
	[tilespmem:$0x10180] =	vst v63  }
0x15c: {  	v3 =	vperm.xlane v3, v2  }
0x15d: {  	[tilespmem:s18], [sflag:$0x2] =	stream.indirect_vreg.gather [hbm4b:s30+s13], $0x80, v4, vm0, $0xb8;
	[tilespmem:$0x10180] =	vst v63  }
0x15e: {  	v3 =	vadd.s32 v1, v3  }
0x15f: {  	[tilespmem:s12], [sflag:$0x2] =	stream.indirect_vreg.gather [hbm4b:s31+s13], $0x80, v4, vm0, $0xb8;
	[tilespmem:$0x10180] =	vst v63  }
0x160: {  	_ = 	snop  }
0x161: {  	[tilespmem:s15], [sflag:$0x2] =	stream.indirect_vreg.gather [hbm4b:s22+s13], $0x80, v4, vm0, $0xb8;
	[tilespmem:$0x10180] =	vst v63  }
0x162: {  	_ = 	snop  }
0x163: {  	[tilespmem:s16], [sflag:$0x2] =	stream.indirect_vreg.gather [hbm4b:s25+s13], $0x80, v3, vm0, $0xb8;
	[tilespmem:$0x10180] =	vst v63  }
0x164: {  	_ = 	snop  }
0x165: {  	[tilespmem:s23], [sflag:$0x2] =	stream.indirect_vreg.gather [hbm4b:s30+s13], $0x80, v3, vm0, $0xb8;
	[tilespmem:$0x10180] =	vst v63  }
0x166: {  	_ = 	snop  }
0x167: {  	[tilespmem:s24], [sflag:$0x2] =	stream.indirect_vreg.gather [hbm4b:s31+s13], $0x80, v3, vm0, $0xb8;
	[tilespmem:$0x10180] =	vst v63  }
0x168: {  	s19 =	simm.s32 $0xF980  }
0x169: {  	[tilespmem:s19], [sflag:$0x2] =	stream.indirect_vreg.gather [hbm4b:s22+s13], $0x80, v3, vm0, $0xb8;
	[tilespmem:$0x10180] =	vst v63  }
0x16a: {  	_ =	swait.ge [sflag:s17], $0x8000  }
0x16b: {  	[sflag:s17] =	ssyncset.done $0x0  }
0x16c: {  	s24 =	rddreg [dreg:$0x14];
	[sflag:s17] =	ssyncadd.s32 $0xFFFF8000  }
0x16d: {  	[hbm4b:s24+s13] =	stream.linear.scatter [tilespmem:s29], [sflag:$0x3], $0x8000, $0x38;
	[tilespmem:$0x10180] =	vst v63  }
0x16e: {  	_ =	swait.ge [sflag:s0], $0x8000  }
0x16f: {  	[sflag:s0] =	ssyncset.done $0x0  }
0x170: {  	s24 =	simm.s32 $0xC0;
	s14 =	rddreg [dreg:$0xa];
	[sflag:s0] =	ssyncadd.s32 $0xFFFF8000  }
0x171: {  	[tilespmem:s24], [sflag:$0x3] =	stream.linear.gather [hbm4b:s14+s13], $0x20, $0x38;
	[tilespmem:$0x10180] =	vst v63  }
0x172: {  	_ =	swait.ge [sflag:s0], $0x20  }
0x173: {  	[sflag:s0] =	ssyncset.done $0x0  }
0x174: {  	[sflag:s0] =	ssyncadd.s32 $0xFFFFFFE0  }
0x175: {  	v3 =	vld [tilespmem:$0xC0];
	_ =	sdelay $0x4  }
0x176: {  	v54 =	vshll.u32 v3, $0x3  }
0x177: {  	v3 =	vand.u32 $0x7, v3;
	v4 =	vand.u32 $0xFFFFFFC0, v54  }
0x178: {  	v3 =	vor.u32 v3, v4  }
0x179: {  	v4 =	vperm.xlane v3, v0;
	_ =	sdelay $0x1  }
0x17a: {  	v4 =	vadd.s32 v1, v4;
	_ =	sdelay $0x4  }
0x17b: {  	[tilespmem:s29], [sflag:$0x1] =	stream.indirect_vreg.gather [hbm4b:s25+s13], $0x80, v4, vm0, $0xb8;
	[tilespmem:$0x10180] =	vst v63  }
0x17c: {  	s24 =	simm.s32 $0x980;
	v3 =	vperm.xlane v3, v2  }
0x17d: {  	[tilespmem:s24], [sflag:$0x1] =	stream.indirect_vreg.gather [hbm4b:s30+s13], $0x80, v4, vm0, $0xb8;
	[tilespmem:$0x10180] =	vst v63  }
0x17e: {  	s1 =	simm.s32 $0x1180;
	v3 =	vadd.s32 v1, v3  }
0x17f: {  	[tilespmem:s1], [sflag:$0x1] =	stream.indirect_vreg.gather [hbm4b:s31+s13], $0x80, v4, vm0, $0xb8;
	[tilespmem:$0x10180] =	vst v63  }
0x180: {  	s2 =	simm.s32 $0x1980  }
0x181: {  	[tilespmem:s2], [sflag:$0x1] =	stream.indirect_vreg.gather [hbm4b:s22+s13], $0x80, v4, vm0, $0xb8;
	[tilespmem:$0x10180] =	vst v63  }
0x182: {  	s3 =	simm.s32 $0x2180  }
0x183: {  	[tilespmem:s3], [sflag:$0x1] =	stream.indirect_vreg.gather [hbm4b:s25+s13], $0x80, v3, vm0, $0xb8;
	[tilespmem:$0x10180] =	vst v63  }
0x184: {  	s4 =	simm.s32 $0x2980  }
0x185: {  	[tilespmem:s4], [sflag:$0x1] =	stream.indirect_vreg.gather [hbm4b:s30+s13], $0x80, v3, vm0, $0xb8;
	[tilespmem:$0x10180] =	vst v63  }
0x186: {  	s5 =	simm.s32 $0x3180  }
0x187: {  	[tilespmem:s5], [sflag:$0x1] =	stream.indirect_vreg.gather [hbm4b:s31+s13], $0x80, v3, vm0, $0xb8;
	[tilespmem:$0x10180] =	vst v63  }
0x188: {  	s21 =	simm.s32 $0x3980  }
0x189: {  	[tilespmem:s21], [sflag:$0x1] =	stream.indirect_vreg.gather [hbm4b:s22+s13], $0x80, v3, vm0, $0xb8;
	[tilespmem:$0x10180] =	vst v63  }
0x18a: {  	v3 =	vld [tilespmem:$0xD0];
	_ =	sdelay $0x4  }
0x18b: {  	v55 =	vshll.u32 v3, $0x3  }
0x18c: {  	v3 =	vand.u32 $0x7, v3;
	v4 =	vand.u32 $0xFFFFFFC0, v55  }
0x18d: {  	v3 =	vor.u32 v3, v4  }
0x18e: {  	v4 =	vperm.xlane v3, v0;
	_ =	sdelay $0x1  }
0x18f: {  	v4 =	vadd.s32 v1, v4;
	_ =	sdelay $0x3  }
0x190: {  	s19 =	simm.s32 $0x4180  }
0x191: {  	[tilespmem:s19], [sflag:$0x1] =	stream.indirect_vreg.gather [hbm4b:s25+s13], $0x80, v4, vm0, $0xb8;
	[tilespmem:$0x10180] =	vst v63  }
0x192: {  	s21 =	simm.s32 $0x4980;
	v3 =	vperm.xlane v3, v2  }
0x193: {  	[tilespmem:s21], [sflag:$0x1] =	stream.indirect_vreg.gather [hbm4b:s30+s13], $0x80, v4, vm0, $0xb8;
	[tilespmem:$0x10180] =	vst v63  }
0x194: {  	s6 =	simm.s32 $0x5180;
	v3 =	vadd.s32 v1, v3  }
0x195: {  	[tilespmem:s6], [sflag:$0x1] =	stream.indirect_vreg.gather [hbm4b:s31+s13], $0x80, v4, vm0, $0xb8;
	[tilespmem:$0x10180] =	vst v63  }
0x196: {  	s7 =	simm.s32 $0x5980  }
0x197: {  	[tilespmem:s7], [sflag:$0x1] =	stream.indirect_vreg.gather [hbm4b:s22+s13], $0x80, v4, vm0, $0xb8;
	[tilespmem:$0x10180] =	vst v63  }
0x198: {  	s8 =	simm.s32 $0x6180  }
0x199: {  	[tilespmem:s8], [sflag:$0x1] =	stream.indirect_vreg.gather [hbm4b:s25+s13], $0x80, v3, vm0, $0xb8;
	[tilespmem:$0x10180] =	vst v63  }
0x19a: {  	s9 =	simm.s32 $0x6980  }
0x19b: {  	[tilespmem:s9], [sflag:$0x1] =	stream.indirect_vreg.gather [hbm4b:s30+s13], $0x80, v3, vm0, $0xb8;
	[tilespmem:$0x10180] =	vst v63  }
0x19c: {  	s10 =	simm.s32 $0x7180  }
0x19d: {  	[tilespmem:s10], [sflag:$0x1] =	stream.indirect_vreg.gather [hbm4b:s31+s13], $0x80, v3, vm0, $0xb8;
	[tilespmem:$0x10180] =	vst v63  }
0x19e: {  	s11 =	simm.s32 $0x7980  }
0x19f: {  	[tilespmem:s11], [sflag:$0x1] =	stream.indirect_vreg.gather [hbm4b:s22+s13], $0x80, v3, vm0, $0xb8;
	[tilespmem:$0x10180] =	vst v63  }
0x1a0: {  	_ =	swait.ge [sflag:s26], $0x8000  }
0x1a1: {  	[sflag:s26] =	ssyncset.done $0x0  }
0x1a2: {  	s1 =	rddreg [dreg:$0x15];
	[sflag:s26] =	ssyncadd.s32 $0xFFFF8000  }
0x1a3: {  	[hbm4b:s1+s13] =	stream.linear.scatter [tilespmem:s20], [sflag:$0x3], $0x8000, $0x38;
	[tilespmem:$0x10180] =	vst v63  }
0x1a4: {  	_ =	swait.ge [sflag:s0], $0x8000  }
0x1a5: {  	[sflag:s0] =	ssyncset.done $0x0  }
0x1a6: {  	s11 =	simm.s32 $0xE0;
	s2 =	rddreg [dreg:$0xb];
	[sflag:s0] =	ssyncadd.s32 $0xFFFF8000  }
0x1a7: {  	[tilespmem:s11], [sflag:$0x3] =	stream.linear.gather [hbm4b:s2+s13], $0x20, $0x38;
	[tilespmem:$0x10180] =	vst v63  }
0x1a8: {  	_ =	swait.ge [sflag:s0], $0x20  }
0x1a9: {  	[sflag:s0] =	ssyncset.done $0x0  }
0x1aa: {  	[sflag:s0] =	ssyncadd.s32 $0xFFFFFFE0  }
0x1ab: {  	v3 =	vld [tilespmem:$0xE0];
	_ =	sdelay $0x4  }
0x1ac: {  	v56 =	vshll.u32 v3, $0x3  }
0x1ad: {  	v3 =	vand.u32 $0x7, v3;
	v4 =	vand.u32 $0xFFFFFFC0, v56  }
0x1ae: {  	v3 =	vor.u32 v3, v4  }
0x1af: {  	v4 =	vperm.xlane v3, v0;
	_ =	sdelay $0x1  }
0x1b0: {  	v4 =	vadd.s32 v1, v4;
	_ =	sdelay $0x4  }
0x1b1: {  	[tilespmem:s20], [sflag:$0x2] =	stream.indirect_vreg.gather [hbm4b:s25+s13], $0x80, v4, vm0, $0xb8;
	[tilespmem:$0x10180] =	vst v63  }
0x1b2: {  	s19 =	simm.s32 $0x8980;
	v3 =	vperm.xlane v3, v2  }
0x1b3: {  	[tilespmem:s19], [sflag:$0x2] =	stream.indirect_vreg.gather [hbm4b:s30+s13], $0x80, v4, vm0, $0xb8;
	[tilespmem:$0x10180] =	vst v63  }
0x1b4: {  	s2 =	simm.s32 $0x9180;
	v3 =	vadd.s32 v1, v3  }
0x1b5: {  	[tilespmem:s2], [sflag:$0x2] =	stream.indirect_vreg.gather [hbm4b:s31+s13], $0x80, v4, vm0, $0xb8;
	[tilespmem:$0x10180] =	vst v63  }
0x1b6: {  	s11 =	simm.s32 $0x9980  }
0x1b7: {  	[tilespmem:s11], [sflag:$0x2] =	stream.indirect_vreg.gather [hbm4b:s22+s13], $0x80, v4, vm0, $0xb8;
	[tilespmem:$0x10180] =	vst v63  }
0x1b8: {  	s14 =	simm.s32 $0xA180  }
0x1b9: {  	[tilespmem:s14], [sflag:$0x2] =	stream.indirect_vreg.gather [hbm4b:s25+s13], $0x80, v3, vm0, $0xb8;
	[tilespmem:$0x10180] =	vst v63  }
0x1ba: {  	s19 =	simm.s32 $0xA980  }
0x1bb: {  	[tilespmem:s19], [sflag:$0x2] =	stream.indirect_vreg.gather [hbm4b:s30+s13], $0x80, v3, vm0, $0xb8;
	[tilespmem:$0x10180] =	vst v63  }
0x1bc: {  	s2 =	simm.s32 $0xB180  }
0x1bd: {  	[tilespmem:s2], [sflag:$0x2] =	stream.indirect_vreg.gather [hbm4b:s31+s13], $0x80, v3, vm0, $0xb8;
	[tilespmem:$0x10180] =	vst v63  }
0x1be: {  	s11 =	simm.s32 $0xB980  }
0x1bf: {  	[tilespmem:s11], [sflag:$0x2] =	stream.indirect_vreg.gather [hbm4b:s22+s13], $0x80, v3, vm0, $0xb8;
	[tilespmem:$0x10180] =	vst v63  }
0x1c0: {  	v3 =	vld [tilespmem:$0xF0];
	_ =	sdelay $0x4  }
0x1c1: {  	v57 =	vshll.u32 v3, $0x3  }
0x1c2: {  	v3 =	vand.u32 $0x7, v3;
	v4 =	vand.u32 $0xFFFFFFC0, v57  }
0x1c3: {  	v3 =	vor.u32 v3, v4  }
0x1c4: {  	v4 =	vperm.xlane v3, v0;
	_ =	sdelay $0x1  }
0x1c5: {  	v4 =	vadd.s32 v1, v4;
	_ =	sdelay $0x3  }
0x1c6: {  	s28 =	simm.s32 $0xC180  }
0x1c7: {  	[tilespmem:s28], [sflag:$0x2] =	stream.indirect_vreg.gather [hbm4b:s25+s13], $0x80, v4, vm0, $0xb8;
	[tilespmem:$0x10180] =	vst v63  }
0x1c8: {  	s14 =	simm.s32 $0xC980;
	v3 =	vperm.xlane v3, v2  }
0x1c9: {  	[tilespmem:s14], [sflag:$0x2] =	stream.indirect_vreg.gather [hbm4b:s30+s13], $0x80, v4, vm0, $0xb8;
	[tilespmem:$0x10180] =	vst v63  }
0x1ca: {  	s12 =	simm.s32 $0xD180;
	v3 =	vadd.s32 v1, v3  }
0x1cb: {  	[tilespmem:s12], [sflag:$0x2] =	stream.indirect_vreg.gather [hbm4b:s31+s13], $0x80, v4, vm0, $0xb8;
	[tilespmem:$0x10180] =	vst v63  }
0x1cc: {  	s15 =	simm.s32 $0xD980  }
0x1cd: {  	[tilespmem:s15], [sflag:$0x2] =	stream.indirect_vreg.gather [hbm4b:s22+s13], $0x80, v4, vm0, $0xb8;
	[tilespmem:$0x10180] =	vst v63  }
0x1ce: {  	s16 =	simm.s32 $0xE180  }
0x1cf: {  	[tilespmem:s16], [sflag:$0x2] =	stream.indirect_vreg.gather [hbm4b:s25+s13], $0x80, v3, vm0, $0xb8;
	[tilespmem:$0x10180] =	vst v63  }
0x1d0: {  	s18 =	simm.s32 $0xE980  }
0x1d1: {  	[tilespmem:s18], [sflag:$0x2] =	stream.indirect_vreg.gather [hbm4b:s30+s13], $0x80, v3, vm0, $0xb8;
	[tilespmem:$0x10180] =	vst v63  }
0x1d2: {  	s23 =	simm.s32 $0xF180  }
0x1d3: {  	[tilespmem:s23], [sflag:$0x2] =	stream.indirect_vreg.gather [hbm4b:s31+s13], $0x80, v3, vm0, $0xb8;
	[tilespmem:$0x10180] =	vst v63  }
0x1d4: {  	s19 =	simm.s32 $0xF980  }
0x1d5: {  	[tilespmem:s19], [sflag:$0x2] =	stream.indirect_vreg.gather [hbm4b:s22+s13], $0x80, v3, vm0, $0xb8;
	[tilespmem:$0x10180] =	vst v63  }
0x1d6: {  	_ =	swait.ge [sflag:s17], $0x8000  }
0x1d7: {  	[sflag:s17] =	ssyncset.done $0x0  }
0x1d8: {  	s23 =	rddreg [dreg:$0x16];
	[sflag:s17] =	ssyncadd.s32 $0xFFFF8000  }
0x1d9: {  	[hbm4b:s23+s13] =	stream.linear.scatter [tilespmem:s29], [sflag:$0x3], $0x8000, $0x38;
	[tilespmem:$0x10180] =	vst v63  }
0x1da: {  	_ =	swait.ge [sflag:s0], $0x8000  }
0x1db: {  	[sflag:s0] =	ssyncset.done $0x0  }
0x1dc: {  	s18 =	simm.s32 $0x100;
	s14 =	rddreg [dreg:$0xc];
	[sflag:s0] =	ssyncadd.s32 $0xFFFF8000  }
0x1dd: {  	[tilespmem:s18], [sflag:$0x3] =	stream.linear.gather [hbm4b:s14+s13], $0x20, $0x38;
	[tilespmem:$0x10180] =	vst v63  }
0x1de: {  	_ =	swait.ge [sflag:s0], $0x20  }
0x1df: {  	[sflag:s0] =	ssyncset.done $0x0  }
0x1e0: {  	[sflag:s0] =	ssyncadd.s32 $0xFFFFFFE0  }
0x1e1: {  	v3 =	vld [tilespmem:$0x100];
	_ =	sdelay $0x4  }
0x1e2: {  	v58 =	vshll.u32 v3, $0x3  }
0x1e3: {  	v3 =	vand.u32 $0x7, v3;
	v4 =	vand.u32 $0xFFFFFFC0, v58  }
0x1e4: {  	v3 =	vor.u32 v3, v4  }
0x1e5: {  	v4 =	vperm.xlane v3, v0;
	_ =	sdelay $0x1  }
0x1e6: {  	v4 =	vadd.s32 v1, v4;
	_ =	sdelay $0x4  }
0x1e7: {  	[tilespmem:s29], [sflag:$0x1] =	stream.indirect_vreg.gather [hbm4b:s25+s13], $0x80, v4, vm0, $0xb8;
	[tilespmem:$0x10180] =	vst v63  }
0x1e8: {  	s23 =	simm.s32 $0x980;
	v3 =	vperm.xlane v3, v2  }
0x1e9: {  	[tilespmem:s23], [sflag:$0x1] =	stream.indirect_vreg.gather [hbm4b:s30+s13], $0x80, v4, vm0, $0xb8;
	[tilespmem:$0x10180] =	vst v63  }
0x1ea: {  	s24 =	simm.s32 $0x1180;
	v3 =	vadd.s32 v1, v3  }
0x1eb: {  	[tilespmem:s24], [sflag:$0x1] =	stream.indirect_vreg.gather [hbm4b:s31+s13], $0x80, v4, vm0, $0xb8;
	[tilespmem:$0x10180] =	vst v63  }
0x1ec: {  	s24 =	simm.s32 $0x1980  }
0x1ed: {  	[tilespmem:s24], [sflag:$0x1] =	stream.indirect_vreg.gather [hbm4b:s22+s13], $0x80, v4, vm0, $0xb8;
	[tilespmem:$0x10180] =	vst v63  }
0x1ee: {  	s3 =	simm.s32 $0x2180  }
0x1ef: {  	[tilespmem:s3], [sflag:$0x1] =	stream.indirect_vreg.gather [hbm4b:s25+s13], $0x80, v3, vm0, $0xb8;
	[tilespmem:$0x10180] =	vst v63  }
0x1f0: {  	s4 =	simm.s32 $0x2980  }
0x1f1: {  	[tilespmem:s4], [sflag:$0x1] =	stream.indirect_vreg.gather [hbm4b:s30+s13], $0x80, v3, vm0, $0xb8;
	[tilespmem:$0x10180] =	vst v63  }
0x1f2: {  	s5 =	simm.s32 $0x3180  }
0x1f3: {  	[tilespmem:s5], [sflag:$0x1] =	stream.indirect_vreg.gather [hbm4b:s31+s13], $0x80, v3, vm0, $0xb8;
	[tilespmem:$0x10180] =	vst v63  }
0x1f4: {  	s19 =	simm.s32 $0x3980  }
0x1f5: {  	[tilespmem:s19], [sflag:$0x1] =	stream.indirect_vreg.gather [hbm4b:s22+s13], $0x80, v3, vm0, $0xb8;
	[tilespmem:$0x10180] =	vst v63  }
0x1f6: {  	v3 =	vld [tilespmem:$0x110];
	_ =	sdelay $0x4  }
0x1f7: {  	v59 =	vshll.u32 v3, $0x3  }
0x1f8: {  	v3 =	vand.u32 $0x7, v3;
	v4 =	vand.u32 $0xFFFFFFC0, v59  }
0x1f9: {  	v3 =	vor.u32 v3, v4  }
0x1fa: {  	v4 =	vperm.xlane v3, v0;
	_ =	sdelay $0x1  }
0x1fb: {  	v4 =	vadd.s32 v1, v4;
	_ =	sdelay $0x3  }
0x1fc: {  	s14 =	simm.s32 $0x4180  }
0x1fd: {  	[tilespmem:s14], [sflag:$0x1] =	stream.indirect_vreg.gather [hbm4b:s25+s13], $0x80, v4, vm0, $0xb8;
	[tilespmem:$0x10180] =	vst v63  }
0x1fe: {  	s19 =	simm.s32 $0x4980;
	v3 =	vperm.xlane v3, v2  }
0x1ff: {  	[tilespmem:s19], [sflag:$0x1] =	stream.indirect_vreg.gather [hbm4b:s30+s13], $0x80, v4, vm0, $0xb8;
	[tilespmem:$0x10180] =	vst v63  }
0x200: {  	s6 =	simm.s32 $0x5180;
	v3 =	vadd.s32 v1, v3  }
0x201: {  	[tilespmem:s6], [sflag:$0x1] =	stream.indirect_vreg.gather [hbm4b:s31+s13], $0x80, v4, vm0, $0xb8;
	[tilespmem:$0x10180] =	vst v63  }
0x202: {  	s7 =	simm.s32 $0x5980  }
0x203: {  	[tilespmem:s7], [sflag:$0x1] =	stream.indirect_vreg.gather [hbm4b:s22+s13], $0x80, v4, vm0, $0xb8;
	[tilespmem:$0x10180] =	vst v63  }
0x204: {  	s8 =	simm.s32 $0x6180  }
0x205: {  	[tilespmem:s8], [sflag:$0x1] =	stream.indirect_vreg.gather [hbm4b:s25+s13], $0x80, v3, vm0, $0xb8;
	[tilespmem:$0x10180] =	vst v63  }
0x206: {  	s9 =	simm.s32 $0x6980  }
0x207: {  	[tilespmem:s9], [sflag:$0x1] =	stream.indirect_vreg.gather [hbm4b:s30+s13], $0x80, v3, vm0, $0xb8;
	[tilespmem:$0x10180] =	vst v63  }
0x208: {  	s10 =	simm.s32 $0x7180  }
0x209: {  	[tilespmem:s10], [sflag:$0x1] =	stream.indirect_vreg.gather [hbm4b:s31+s13], $0x80, v3, vm0, $0xb8;
	[tilespmem:$0x10180] =	vst v63  }
0x20a: {  	s21 =	simm.s32 $0x7980  }
0x20b: {  	[tilespmem:s21], [sflag:$0x1] =	stream.indirect_vreg.gather [hbm4b:s22+s13], $0x80, v3, vm0, $0xb8;
	[tilespmem:$0x10180] =	vst v63  }
0x20c: {  	_ =	swait.ge [sflag:s26], $0x8000  }
0x20d: {  	[sflag:s26] =	ssyncset.done $0x0  }
0x20e: {  	s21 =	rddreg [dreg:$0x17];
	[sflag:s26] =	ssyncadd.s32 $0xFFFF8000  }
0x20f: {  	[hbm4b:s21+s13] =	stream.linear.scatter [tilespmem:s20], [sflag:$0x3], $0x8000, $0x38;
	[tilespmem:$0x10180] =	vst v63  }
0x210: {  	_ =	swait.ge [sflag:s0], $0x8000  }
0x211: {  	[sflag:s0] =	ssyncset.done $0x0  }
0x212: {  	s21 =	simm.s32 $0x120;
	s14 =	rddreg [dreg:$0xd];
	[sflag:s0] =	ssyncadd.s32 $0xFFFF8000  }
0x213: {  	[tilespmem:s21], [sflag:$0x3] =	stream.linear.gather [hbm4b:s14+s13], $0x20, $0x38;
	[tilespmem:$0x10180] =	vst v63  }
0x214: {  	_ =	swait.ge [sflag:s0], $0x20  }
0x215: {  	[sflag:s0] =	ssyncset.done $0x0  }
0x216: {  	[sflag:s0] =	ssyncadd.s32 $0xFFFFFFE0  }
0x217: {  	v3 =	vld [tilespmem:$0x120];
	_ =	sdelay $0x4  }
0x218: {  	v60 =	vshll.u32 v3, $0x3  }
0x219: {  	v3 =	vand.u32 $0x7, v3;
	v4 =	vand.u32 $0xFFFFFFC0, v60  }
0x21a: {  	v3 =	vor.u32 v3, v4  }
0x21b: {  	v4 =	vperm.xlane v3, v0;
	_ =	sdelay $0x1  }
0x21c: {  	v4 =	vadd.s32 v1, v4;
	_ =	sdelay $0x4  }
0x21d: {  	[tilespmem:s20], [sflag:$0x2] =	stream.indirect_vreg.gather [hbm4b:s25+s13], $0x80, v4, vm0, $0xb8;
	[tilespmem:$0x10180] =	vst v63  }
0x21e: {  	s21 =	simm.s32 $0x8980;
	v3 =	vperm.xlane v3, v2  }
0x21f: {  	[tilespmem:s21], [sflag:$0x2] =	stream.indirect_vreg.gather [hbm4b:s30+s13], $0x80, v4, vm0, $0xb8;
	[tilespmem:$0x10180] =	vst v63  }
0x220: {  	s19 =	simm.s32 $0x9180;
	v3 =	vadd.s32 v1, v3  }
0x221: {  	[tilespmem:s19], [sflag:$0x2] =	stream.indirect_vreg.gather [hbm4b:s31+s13], $0x80, v4, vm0, $0xb8;
	[tilespmem:$0x10180] =	vst v63  }
0x222: {  	s21 =	simm.s32 $0x9980  }
0x223: {  	[tilespmem:s21], [sflag:$0x2] =	stream.indirect_vreg.gather [hbm4b:s22+s13], $0x80, v4, vm0, $0xb8;
	[tilespmem:$0x10180] =	vst v63  }
0x224: {  	s19 =	simm.s32 $0xA180  }
0x225: {  	[tilespmem:s19], [sflag:$0x2] =	stream.indirect_vreg.gather [hbm4b:s25+s13], $0x80, v3, vm0, $0xb8;
	[tilespmem:$0x10180] =	vst v63  }
0x226: {  	s21 =	simm.s32 $0xA980  }
0x227: {  	[tilespmem:s21], [sflag:$0x2] =	stream.indirect_vreg.gather [hbm4b:s30+s13], $0x80, v3, vm0, $0xb8;
	[tilespmem:$0x10180] =	vst v63  }
0x228: {  	s19 =	simm.s32 $0xB180  }
0x229: {  	[tilespmem:s19], [sflag:$0x2] =	stream.indirect_vreg.gather [hbm4b:s31+s13], $0x80, v3, vm0, $0xb8;
	[tilespmem:$0x10180] =	vst v63  }
0x22a: {  	s21 =	simm.s32 $0xB980  }
0x22b: {  	[tilespmem:s21], [sflag:$0x2] =	stream.indirect_vreg.gather [hbm4b:s22+s13], $0x80, v3, vm0, $0xb8;
	[tilespmem:$0x10180] =	vst v63  }
0x22c: {  	v3 =	vld [tilespmem:$0x130];
	_ =	sdelay $0x4  }
0x22d: {  	v61 =	vshll.u32 v3, $0x3  }
0x22e: {  	v3 =	vand.u32 $0x7, v3;
	v4 =	vand.u32 $0xFFFFFFC0, v61  }
0x22f: {  	v3 =	vor.u32 v3, v4  }
0x230: {  	v4 =	vperm.xlane v3, v0;
	_ =	sdelay $0x1  }
0x231: {  	v4 =	vadd.s32 v1, v4;
	_ =	sdelay $0x3  }
0x232: {  	s2 =	simm.s32 $0xC180  }
0x233: {  	[tilespmem:s2], [sflag:$0x2] =	stream.indirect_vreg.gather [hbm4b:s25+s13], $0x80, v4, vm0, $0xb8;
	[tilespmem:$0x10180] =	vst v63  }
0x234: {  	s28 =	simm.s32 $0xC980;
	v3 =	vperm.xlane v3, v2  }
0x235: {  	[tilespmem:s28], [sflag:$0x2] =	stream.indirect_vreg.gather [hbm4b:s30+s13], $0x80, v4, vm0, $0xb8;
	[tilespmem:$0x10180] =	vst v63  }
0x236: {  	s1 =	simm.s32 $0xD180;
	v3 =	vadd.s32 v1, v3  }
0x237: {  	[tilespmem:s1], [sflag:$0x2] =	stream.indirect_vreg.gather [hbm4b:s31+s13], $0x80, v4, vm0, $0xb8;
	[tilespmem:$0x10180] =	vst v63  }
0x238: {  	s11 =	simm.s32 $0xD980  }
0x239: {  	[tilespmem:s11], [sflag:$0x2] =	stream.indirect_vreg.gather [hbm4b:s22+s13], $0x80, v4, vm0, $0xb8;
	[tilespmem:$0x10180] =	vst v63  }
0x23a: {  	s12 =	simm.s32 $0xE180  }
0x23b: {  	[tilespmem:s12], [sflag:$0x2] =	stream.indirect_vreg.gather [hbm4b:s25+s13], $0x80, v3, vm0, $0xb8;
	[tilespmem:$0x10180] =	vst v63  }
0x23c: {  	s15 =	simm.s32 $0xE980  }
0x23d: {  	[tilespmem:s15], [sflag:$0x2] =	stream.indirect_vreg.gather [hbm4b:s30+s13], $0x80, v3, vm0, $0xb8;
	[tilespmem:$0x10180] =	vst v63  }
0x23e: {  	s16 =	simm.s32 $0xF180  }
0x23f: {  	[tilespmem:s16], [sflag:$0x2] =	stream.indirect_vreg.gather [hbm4b:s31+s13], $0x80, v3, vm0, $0xb8;
	[tilespmem:$0x10180] =	vst v63  }
0x240: {  	s2 =	simm.s32 $0xF980  }
0x241: {  	[tilespmem:s2], [sflag:$0x2] =	stream.indirect_vreg.gather [hbm4b:s22+s13], $0x80, v3, vm0, $0xb8;
	[tilespmem:$0x10180] =	vst v63  }
0x242: {  	_ =	swait.ge [sflag:s17], $0x8000  }
0x243: {  	[sflag:s17] =	ssyncset.done $0x0  }
0x244: {  	s11 =	rddreg [dreg:$0x18];
	[sflag:s17] =	ssyncadd.s32 $0xFFFF8000  }
0x245: {  	[hbm4b:s11+s13] =	stream.linear.scatter [tilespmem:s29], [sflag:$0x3], $0x8000, $0x38;
	[tilespmem:$0x10180] =	vst v63  }
0x246: {  	_ =	swait.ge [sflag:s0], $0x8000  }
0x247: {  	[sflag:s0] =	ssyncset.done $0x0  }
0x248: {  	s15 =	simm.s32 $0x140;
	s12 =	rddreg [dreg:$0xe];
	[sflag:s0] =	ssyncadd.s32 $0xFFFF8000  }
0x249: {  	[tilespmem:s15], [sflag:$0x3] =	stream.linear.gather [hbm4b:s12+s13], $0x20, $0x38;
	[tilespmem:$0x10180] =	vst v63  }
0x24a: {  	_ =	swait.ge [sflag:s0], $0x20  }
0x24b: {  	[sflag:s0] =	ssyncset.done $0x0  }
0x24c: {  	[sflag:s0] =	ssyncadd.s32 $0xFFFFFFE0  }
0x24d: {  	v3 =	vld [tilespmem:$0x140];
	_ =	sdelay $0x4  }
0x24e: {  	v62 =	vshll.u32 v3, $0x3  }
0x24f: {  	v3 =	vand.u32 $0x7, v3;
	v4 =	vand.u32 $0xFFFFFFC0, v62  }
0x250: {  	v3 =	vor.u32 v3, v4  }
0x251: {  	v4 =	vperm.xlane v3, v0;
	_ =	sdelay $0x1  }
0x252: {  	v4 =	vadd.s32 v1, v4;
	_ =	sdelay $0x4  }
0x253: {  	[tilespmem:s29], [sflag:$0x1] =	stream.indirect_vreg.gather [hbm4b:s25+s13], $0x80, v4, vm0, $0xb8;
	[tilespmem:$0x10180] =	vst v63  }
0x254: {  	s16 =	simm.s32 $0x980;
	v3 =	vperm.xlane v3, v2  }
0x255: {  	[tilespmem:s16], [sflag:$0x1] =	stream.indirect_vreg.gather [hbm4b:s30+s13], $0x80, v4, vm0, $0xb8;
	[tilespmem:$0x10180] =	vst v63  }
0x256: {  	s18 =	simm.s32 $0x1180;
	v3 =	vadd.s32 v1, v3  }
0x257: {  	[tilespmem:s18], [sflag:$0x1] =	stream.indirect_vreg.gather [hbm4b:s31+s13], $0x80, v4, vm0, $0xb8;
	[tilespmem:$0x10180] =	vst v63  }
0x258: {  	s23 =	simm.s32 $0x1980  }
0x259: {  	[tilespmem:s23], [sflag:$0x1] =	stream.indirect_vreg.gather [hbm4b:s22+s13], $0x80, v4, vm0, $0xb8;
	[tilespmem:$0x10180] =	vst v63  }
0x25a: {  	s24 =	simm.s32 $0x2180  }
0x25b: {  	[tilespmem:s24], [sflag:$0x1] =	stream.indirect_vreg.gather [hbm4b:s25+s13], $0x80, v3, vm0, $0xb8;
	[tilespmem:$0x10180] =	vst v63  }
0x25c: {  	s3 =	simm.s32 $0x2980  }
0x25d: {  	[tilespmem:s3], [sflag:$0x1] =	stream.indirect_vreg.gather [hbm4b:s30+s13], $0x80, v3, vm0, $0xb8;
	[tilespmem:$0x10180] =	vst v63  }
0x25e: {  	s4 =	simm.s32 $0x3180  }
0x25f: {  	[tilespmem:s4], [sflag:$0x1] =	stream.indirect_vreg.gather [hbm4b:s31+s13], $0x80, v3, vm0, $0xb8;
	[tilespmem:$0x10180] =	vst v63  }
0x260: {  	s19 =	simm.s32 $0x3980  }
0x261: {  	[tilespmem:s19], [sflag:$0x1] =	stream.indirect_vreg.gather [hbm4b:s22+s13], $0x80, v3, vm0, $0xb8;
	[tilespmem:$0x10180] =	vst v63  }
0x262: {  	v3 =	vld [tilespmem:$0x150];
	_ =	sdelay $0x4  }
0x263: {  	v63 =	vshll.u32 v3, $0x3  }
0x264: {  	v3 =	vand.u32 $0x7, v3;
	v4 =	vand.u32 $0xFFFFFFC0, v63  }
0x265: {  	v3 =	vor.u32 v3, v4  }
0x266: {  	v4 =	vperm.xlane v3, v0;
	_ =	sdelay $0x1  }
0x267: {  	v4 =	vadd.s32 v1, v4;
	_ =	sdelay $0x3  }
0x268: {  	s21 =	simm.s32 $0x4180  }
0x269: {  	[tilespmem:s21], [sflag:$0x1] =	stream.indirect_vreg.gather [hbm4b:s25+s13], $0x80, v4, vm0, $0xb8;
	[tilespmem:$0x10180] =	vst v63  }
0x26a: {  	s23 =	simm.s32 $0x4980;
	v3 =	vperm.xlane v3, v2  }
0x26b: {  	[tilespmem:s23], [sflag:$0x1] =	stream.indirect_vreg.gather [hbm4b:s30+s13], $0x80, v4, vm0, $0xb8;
	[tilespmem:$0x10180] =	vst v63  }
0x26c: {  	s5 =	simm.s32 $0x5180;
	v3 =	vadd.s32 v1, v3  }
0x26d: {  	[tilespmem:s5], [sflag:$0x1] =	stream.indirect_vreg.gather [hbm4b:s31+s13], $0x80, v4, vm0, $0xb8;
	[tilespmem:$0x10180] =	vst v63  }
0x26e: {  	s6 =	simm.s32 $0x5980  }
0x26f: {  	[tilespmem:s6], [sflag:$0x1] =	stream.indirect_vreg.gather [hbm4b:s22+s13], $0x80, v4, vm0, $0xb8;
	[tilespmem:$0x10180] =	vst v63  }
0x270: {  	s7 =	simm.s32 $0x6180  }
0x271: {  	[tilespmem:s7], [sflag:$0x1] =	stream.indirect_vreg.gather [hbm4b:s25+s13], $0x80, v3, vm0, $0xb8;
	[tilespmem:$0x10180] =	vst v63  }
0x272: {  	s8 =	simm.s32 $0x6980  }
0x273: {  	[tilespmem:s8], [sflag:$0x1] =	stream.indirect_vreg.gather [hbm4b:s30+s13], $0x80, v3, vm0, $0xb8;
	[tilespmem:$0x10180] =	vst v63  }
0x274: {  	s9 =	simm.s32 $0x7180  }
0x275: {  	[tilespmem:s9], [sflag:$0x1] =	stream.indirect_vreg.gather [hbm4b:s31+s13], $0x80, v3, vm0, $0xb8;
	[tilespmem:$0x10180] =	vst v63  }
0x276: {  	s10 =	simm.s32 $0x7980  }
0x277: {  	[tilespmem:s10], [sflag:$0x1] =	stream.indirect_vreg.gather [hbm4b:s22+s13], $0x80, v3, vm0, $0xb8;
	[tilespmem:$0x10180] =	vst v63  }
0x278: {  	_ =	swait.ge [sflag:s26], $0x8000  }
0x279: {  	[sflag:s26] =	ssyncset.done $0x0  }
.Ltmp2:
0x27a: {  	s24 =	rddreg [dreg:$0x19];
	[sflag:s26] =	ssyncadd.s32 $0xFFFF8000;
	(pc) =	sbr.rel @p0 .LBB2_3-.Ltmp2, $4  }
0x27b: {  	[hbm4b:s24+s13] =	stream.linear.scatter [tilespmem:s20], [sflag:$0x3], $0x8000, $0x38;
	[tilespmem:$0x10180] =	vst v63  }
0x27c: {  	s14 =	simm.s32 $0xB980;
	s28 =	simm.s32 $0xD180;
	_ =	swait.ge [sflag:s0], $0x8000  }
0x27d: {  	s11 =	simm.s32 $0x180;
	s19 =	simm.s32 $0x180;
	[sflag:s0] =	ssyncset.done $0x0  }
0x27e: {  	s20 =	simm.s32 $0x1;
	s21 =	rddreg [dreg:$0x1a];
	[sflag:s0] =	ssyncadd.s32 $0xFFFF8000  }
0x27f: {  	s19 =	rddreg [dreg:$0xf];
	s1 =	simm.s32 $0x160  }
0x280: {  	[tilespmem:s1], [sflag:$0x3] =	stream.linear.gather [hbm4b:s19+s13], $0x20, $0x38;
	[tilespmem:$0x10180] =	vst v63  }
0x281: {  	_ =	swait.ge [sflag:s0], $0x20  }
0x282: {  	[sflag:s0] =	ssyncset.done $0x0  }
0x283: {  	[sflag:s0] =	ssyncadd.s32 $0xFFFFFFE0  }
0x284: {  	v3 =	vld [tilespmem:$0x160];
	_ =	sdelay $0x4  }
0x285: {  	v4 =	vshll.u32 v3, $0x3  }
0x286: {  	v3 =	vand.u32 $0x7, v3;
	v4 =	vand.u32 $0xFFFFFFC0, v4  }
0x287: {  	v3 =	vor.u32 v3, v4  }
0x288: {  	v4 =	vperm.xlane v3, v0;
	_ =	sdelay $0x1  }
0x289: {  	v4 =	vadd.s32 v1, v4;
	_ =	sdelay $0x3  }
0x28a: {  	s19 =	simm.s32 $0x8180  }
0x28b: {  	[tilespmem:s19], [sflag:$0x2] =	stream.indirect_vreg.gather [hbm4b:s25+s13], $0x80, v4, vm0, $0xb8;
	[tilespmem:$0x10180] =	vst v63  }
0x28c: {  	s7 =	simm.s32 $0x8980;
	v3 =	vperm.xlane v3, v2  }
0x28d: {  	[tilespmem:s7], [sflag:$0x2] =	stream.indirect_vreg.gather [hbm4b:s30+s13], $0x80, v4, vm0, $0xb8;
	[tilespmem:$0x10180] =	vst v63  }
0x28e: {  	s8 =	simm.s32 $0x9180;
	v3 =	vadd.s32 v1, v3  }
0x28f: {  	[tilespmem:s8], [sflag:$0x2] =	stream.indirect_vreg.gather [hbm4b:s31+s13], $0x80, v4, vm0, $0xb8;
	[tilespmem:$0x10180] =	vst v63  }
0x290: {  	s9 =	simm.s32 $0x9980  }
0x291: {  	[tilespmem:s9], [sflag:$0x2] =	stream.indirect_vreg.gather [hbm4b:s22+s13], $0x80, v4, vm0, $0xb8;
	[tilespmem:$0x10180] =	vst v63  }
0x292: {  	s10 =	simm.s32 $0xA180  }
0x293: {  	[tilespmem:s10], [sflag:$0x2] =	stream.indirect_vreg.gather [hbm4b:s25+s13], $0x80, v3, vm0, $0xb8;
	[tilespmem:$0x10180] =	vst v63  }
0x294: {  	s12 =	simm.s32 $0xA980  }
0x295: {  	[tilespmem:s12], [sflag:$0x2] =	stream.indirect_vreg.gather [hbm4b:s30+s13], $0x80, v3, vm0, $0xb8;
	[tilespmem:$0x10180] =	vst v63  }
0x296: {  	s15 =	simm.s32 $0xB180  }
0x297: {  	[tilespmem:s15], [sflag:$0x2] =	stream.indirect_vreg.gather [hbm4b:s31+s13], $0x80, v3, vm0, $0xb8;
	[tilespmem:$0x10180] =	vst v63  }
0x298: {  	_ = 	snop  }
0x299: {  	[tilespmem:s14], [sflag:$0x2] =	stream.indirect_vreg.gather [hbm4b:s22+s13], $0x80, v3, vm0, $0xb8;
	[tilespmem:$0x10180] =	vst v63  }
0x29a: {  	v3 =	vld [tilespmem:$0x170];
	_ =	sdelay $0x4  }
0x29b: {  	v63 =	vshll.u32 v3, $0x3  }
0x29c: {  	v3 =	vand.u32 $0x7, v3;
	v4 =	vand.u32 $0xFFFFFFC0, v63  }
0x29d: {  	v3 =	vor.u32 v3, v4  }
0x29e: {  	v4 =	vperm.xlane v3, v0;
	_ =	sdelay $0x1  }
0x29f: {  	v4 =	vadd.s32 v1, v4;
	_ =	sdelay $0x3  }
0x2a0: {  	s16 =	simm.s32 $0xC180  }
0x2a1: {  	[tilespmem:s16], [sflag:$0x2] =	stream.indirect_vreg.gather [hbm4b:s25+s13], $0x80, v4, vm0, $0xb8;
	[tilespmem:$0x10180] =	vst v63  }
0x2a2: {  	s18 =	simm.s32 $0xC980;
	v3 =	vperm.xlane v3, v2  }
0x2a3: {  	[tilespmem:s18], [sflag:$0x2] =	stream.indirect_vreg.gather [hbm4b:s30+s13], $0x80, v4, vm0, $0xb8;
	[tilespmem:$0x10180] =	vst v63  }
0x2a4: {  	v3 =	vadd.s32 v1, v3  }
0x2a5: {  	[tilespmem:s28], [sflag:$0x2] =	stream.indirect_vreg.gather [hbm4b:s31+s13], $0x80, v4, vm0, $0xb8;
	[tilespmem:$0x10180] =	vst v63  }
0x2a6: {  	s20 =	simm.s32 $0xD980  }
0x2a7: {  	[tilespmem:s20], [sflag:$0x2] =	stream.indirect_vreg.gather [hbm4b:s22+s13], $0x80, v4, vm0, $0xb8;
	[tilespmem:$0x10180] =	vst v63  }
0x2a8: {  	s21 =	simm.s32 $0xE180  }
0x2a9: {  	[tilespmem:s21], [sflag:$0x2] =	stream.indirect_vreg.gather [hbm4b:s25+s13], $0x80, v3, vm0, $0xb8;
	[tilespmem:$0x10180] =	vst v63  }
0x2aa: {  	s23 =	simm.s32 $0xE980  }
0x2ab: {  	[tilespmem:s23], [sflag:$0x2] =	stream.indirect_vreg.gather [hbm4b:s30+s13], $0x80, v3, vm0, $0xb8;
	[tilespmem:$0x10180] =	vst v63  }
0x2ac: {  	s24 =	simm.s32 $0xF180  }
0x2ad: {  	[tilespmem:s24], [sflag:$0x2] =	stream.indirect_vreg.gather [hbm4b:s31+s13], $0x80, v3, vm0, $0xb8;
	[tilespmem:$0x10180] =	vst v63  }
0x2ae: {  	s28 =	simm.s32 $0xF980  }
0x2af: {  	[tilespmem:s28], [sflag:$0x2] =	stream.indirect_vreg.gather [hbm4b:s22+s13], $0x80, v3, vm0, $0xb8;
	[tilespmem:$0x10180] =	vst v63  }
0x2b0: {  	_ =	swait.ge [sflag:s17], $0x8000  }
0x2b1: {  	[sflag:s17] =	ssyncset.done $0x0  }
.Ltmp3:
0x2b2: {  	s20 =	rddreg [dreg:$0x1a];
	[sflag:s17] =	ssyncadd.s32 $0xFFFF8000;
	(pc) =	sbr.rel .LBB2_3-.Ltmp3, $4  }
0x2b3: {  	[hbm4b:s20+s13] =	stream.linear.scatter [tilespmem:s11], [sflag:$0x3], $0x8000, $0x38;
	[tilespmem:$0x10180] =	vst v63  }
0x2b4: {  	_ =	swait.ge [sflag:s0], $0x8000  }
0x2b5: {  	[sflag:s0] =	ssyncset.done $0x0  }
0x2b6: {  	s20 =	simm.s32 $0x2;
	s21 =	rddreg [dreg:$0x1b];
	[sflag:s0] =	ssyncadd.s32 $0xFFFF8000  }
.LBB2_4:
0x2b7: {  	_ =	sfence.sel $0x180000  }
0x2b8: {  	[bflag:$0x0] =	sbarrier.arrive $0xFFFF  }
0x2b9: {  	_ =	strace $0x90000047  }
0x2ba: {  	s0 =	stileid.u32;
	[bflag:$0x2] =	sbarrier.arrive $0xFFFF  }
0x2bb: {  	p0 =	sne.s32 s0, $0x0;
	s0 =	rddreg [dreg:$0x3]  }
0x2bc: {  	s0 =	sadd.s32 @!p0 $0x100000, s0  }
0x2bd: {  	[sflag:s0] =	ssyncadd.tile.s32 @!p0 $0x1;
	_ =	shalt  }
.Lfunc_end2:
_tile_overlayer_lowered:
.L_overlay_start_2:
0x2be: {  	(tag) =	ssettag $0x2  }
0x2bf: {  	s0 =	rddreg [dreg:$0x0];
	s2 =	stileid.u32  }
0x2c0: {  	s1 =	rddreg [dreg:$0x1];
	p0 =	sne.s32 s2, $0x0  }
0x2c1: {  	s3 =	rddreg [dreg:$0x2];
	[bflag:$0x3] =	sbarrier.arrive $0xFFFF;
	s2 =	simm.s32 @!p0 $0x1C03  }
0x2c2: {  	[timem:s3], [sflag:s2] =	dma.local @!p0 [hbm:s0], s1  }
0x2c3: {  	s0 =	simm.s32 @!p0 $0x3  }
0x2c4: {  	_ =	swait.ge @!p0 [sflag:s0], s1  }
0x2c5: {  	s1 =	ssub.s32 @!p0 $0x0, s1;
	[sflag:s0] =	ssyncset.done @!p0 $0x0  }
0x2c6: {  	[sflag:s0] =	ssyncadd.s32 @!p0 s1  }
0x2c7: {  	[bflag:$0x3] =	sbarrier.arrive $0xFFFF  }
0x2c8: {  	_ =	shalt  }

</sc_bundles>
